<compile_context>
chip_gen: v7x
topology: tpu7x:2x2x1
jax: 0.10.2.dev20260603
libtpu: 0.0.44.dev20260713+nightly
codegen_flags: <defaults>
</compile_context>

<pallas_src>
import functools

import jax
import jax.numpy as jnp
from jax import lax
from jax.experimental import pallas as pl
from jax.experimental.pallas import tpu as pltpu
from jax.experimental.pallas import tpu_sc as plsc

_MM_DIMS_CONTRACT0 = (((0,), (0,)), ((), ()))
_MM_DIMS_ROWXCOL = (((1,), (0,)), ((), ()))


def _bf16_mm(a, b, dims):
    return jax.lax.dot_general(a, b, dims,
                               preferred_element_type=jnp.float32,
                               precision=jax.lax.Precision.DEFAULT)


def _trunc16(v):
    bits = jax.lax.bitcast_convert_type(v, jnp.uint32)
    return jax.lax.bitcast_convert_type(bits & jnp.uint32(0xFFFF0000),
                                        jnp.float32)


def _vq_tc_kernel(z_ref, dic_ref, idx_ref, idxf_ref, dict_ref):
    dic = dic_ref[...]
    c_norm = jnp.sum(dic * dic, axis=0)
    B = z_ref.shape[0]
    F, K = dic.shape
    H, W = z_ref.shape[2], z_ref.shape[3]
    HW = H * W
    N = B * HW

    dic_h32 = _trunc16(dic)
    dic_l32 = dic - dic_h32
    ndic_h = (-2.0 * dic_h32).astype(jnp.bfloat16)
    ndic_l = (-2.0 * dic_l32).astype(jnp.bfloat16)
    dic_h = dic_h32.astype(jnp.bfloat16)
    dic_m32 = _trunc16(dic_l32)
    dic_m = dic_m32.astype(jnp.bfloat16)
    dic_t = (dic_l32 - dic_m32).astype(jnp.bfloat16)

    cn_h32 = _trunc16(c_norm)
    cn_h = cn_h32.astype(jnp.bfloat16)
    cn_l = (c_norm - cn_h32).astype(jnp.bfloat16)

    x = jnp.concatenate(
        [z_ref[b].reshape(F, HW) for b in range(B)], axis=1)
    x_h32 = _trunc16(x)
    x_h = x_h32.astype(jnp.bfloat16)
    x_l = (x - x_h32).astype(jnp.bfloat16)

    ones_row = jnp.ones((1, N), jnp.bfloat16)
    lhs = jnp.concatenate(
        [ndic_h, ndic_h, ndic_l, cn_h[None, :], cn_l[None, :]], axis=0)
    rhs = jnp.concatenate([x_h, x_l, x_h, ones_row, ones_row], axis=0)
    dist = _bf16_mm(lhs, rhs, _MM_DIMS_CONTRACT0)
    iota_k = jax.lax.broadcasted_iota(jnp.int32, (K, N), 0)
    i1 = jnp.argmin(dist, axis=0).astype(jnp.int32)
    eq1 = iota_k == i1[None, :]
    masked = jnp.where(eq1, jnp.inf, dist)
    i2 = jnp.argmin(masked, axis=0).astype(jnp.int32)

    ohb = jnp.concatenate(
        [eq1, iota_k == i2[None, :]], axis=1).astype(jnp.bfloat16)
    c12 = ((_bf16_mm(dic_h, ohb, _MM_DIMS_ROWXCOL)
            + _bf16_mm(dic_m, ohb, _MM_DIMS_ROWXCOL))
           + _bf16_mm(dic_t, ohb, _MM_DIMS_ROWXCOL))
    c1 = c12[:, :N]
    c2 = c12[:, N:]

    e1 = jnp.zeros((1, N), jnp.float32)
    e2 = jnp.zeros((1, N), jnp.float32)
    for f in range(F):
        d1f = x[f:f + 1, :] - c1[f:f + 1, :]
        d2f = x[f:f + 1, :] - c2[f:f + 1, :]
        e1 = e1 + d1f * d1f
        e2 = e2 + d2f * d2f

    take2 = (e2 < e1) | ((e2 == e1) & (i2[None, :] < i1[None, :]))
    idx = jnp.where(take2[0], i2, i1)
    idxf_ref[...] = idx[None, :]
    dict_ref[...] = jnp.pad(dic.T, ((0, 0), (0, 128 - F)))
    idx2 = idx[None, :]
    for b in range(B):
        for h in range(H):
            idx_ref[b, h, :] = idx2[0, b * HW + h * W: b * HW + (h + 1) * W]


def _make_sc_gather(V, D, B):
    info = plsc.get_sparse_core_info()
    NC, NS, L = info.num_cores, info.num_subcores, info.num_lanes
    NW = NC * NS
    assert D % L == 0 and B % (8 * NW) == 0
    b_per_w = B // NW
    mesh = plsc.VectorSubcoreMesh(core_axis_name="c", subcore_axis_name="s")

    @functools.partial(
        pl.kernel, mesh=mesh,
        out_type=jax.ShapeDtypeStruct((B, D), jnp.float32),
        scratch_types=[
            pltpu.VMEM((b_per_w,), jnp.int32),
            pltpu.VMEM((b_per_w, D), jnp.float32),
            pltpu.SemaphoreType.DMA,
        ],
    )
    def k(table_hbm, idx_hbm, out_hbm, idx_v, rows_v, sem):
        wid = lax.axis_index("s") * NC + lax.axis_index("c")
        base = wid * b_per_w
        pltpu.sync_copy(idx_hbm.at[pl.ds(base, b_per_w)], idx_v)
        pltpu.async_copy(table_hbm.at[idx_v], rows_v, sem).wait()
        pltpu.sync_copy(rows_v, out_hbm.at[pl.ds(base, b_per_w)])

    return k


@functools.partial(jax.jit, static_argnames=())
def kernel(z, z_dic):
    B, F, H, W = z.shape
    _F, K = z_dic.shape
    N = B * H * W
    idx, idxf, dic_t = pl.pallas_call(
        _vq_tc_kernel,
        out_shape=(
            jax.ShapeDtypeStruct((B, H, W), jnp.int32),
            jax.ShapeDtypeStruct((1, N), jnp.int32),
            jax.ShapeDtypeStruct((K, 128), jnp.float32),
        ),
    )(z, z_dic)
    rows = _make_sc_gather(K, 128, N)(dic_t, idxf.reshape(N))
    zq = jnp.transpose(rows.reshape(B, H, W, 128)[..., :F], (0, 3, 1, 2))
    return (zq, idx)

# --- scband reference (transcript-rebuilt; emitter-appended) ---
"""Pipeline reference for scband-vqdic-7825430413747 (READ-ONLY COPY).

The authoritative reference and input builder live on the scoring server;
editing this copy changes nothing except your own understanding.
"""

import jax, jax.numpy as jnp
import numpy as np


def setup_inputs(seed: int = 0) -> dict:
    key = jax.random.key(seed)
    k1, k2 = jax.random.split(key)
    z = jax.random.normal(k1, (4, 32, 32, 32), dtype=jnp.float32)
    z_dic = jax.random.normal(k2, (32, 512), dtype=jnp.float32)
    return {"z": z, "z_dic": z_dic}


def reference(z, z_dic):
    # Faithful translation of VQDicFunction.forward
    B, F, H, W = z.shape
    _F, K = z_dic.shape
    assert F == _F
    # squared distance, mean over feature dim, argmin over codebook dim
    diff = z.reshape(B, F, 1, H, W) - z_dic.reshape(1, F, K, 1, 1)
    dist = (diff ** 2).mean(axis=1)  # [B, K, H, W]
    idx = jnp.argmin(dist, axis=1)   # [B, H, W]
    # gather codebook vectors: z_dic[:, idx] -> [F, B, H, W] -> permute to [B, F, H, W]
    zq = jnp.transpose(z_dic[:, idx], (1, 0, 2, 3))
    return (zq, idx)

if __name__ == "__main__":
    import jax
    _d = setup_inputs()
    print(jax.jit(kernel)(*tuple(_d.values())))

</pallas_src>

<mosaic_0001>
#map = affine_map<(d0, d1) -> (0, 0)>
#map1 = affine_map<(d0, d1) -> (0)>
module attributes {stable_mosaic.version = 14 : i64} {
  func.func @k(%arg0: i32, %arg1: i32, %arg2: memref<512x128xf32, #tpu.memory_space<hbm>>, %arg3: memref<4096xi32, #tpu.memory_space<hbm>>, %arg4: memref<4096x128xf32, #tpu.memory_space<hbm>>, %arg5: memref<128xi32, #tpu.memory_space<vmem>>, %arg6: memref<128x128xf32, #tpu.memory_space<vmem>>, %arg7: memref<!tpu.dma_semaphore, #tpu.memory_space<semaphore_mem>>) attributes {dimension_semantics = [#tpu.dimension_semantics<core_parallel>, #tpu.dimension_semantics<subcore_parallel>], iteration_bounds = array<i64: 2, 16>, scalar_prefetch = 0 : i64, scratch_operands = 3 : i64, tpu.core_type = #tpu.core_type<sc_vector_subcore>, window_params = [{transform_indices = #map}, {transform_indices = #map1}, {transform_indices = #map}]} {
    %mul3A = arith.constant 2 : i32
    %mul3A_0 = arith.muli %arg1, %mul3A : i32
    %add3A = arith.addi %mul3A_0, %arg0 : i32
    %mul3A_1 = arith.constant 128 : i32
    %mul3A_2 = arith.muli %add3A, %mul3A_1 : i32
    "tpu.region"() ({
      %run_scoped3A = tpu.sem_alloc : memref<!tpu.dma_semaphore, #tpu.memory_space<semaphore_mem>>
      %dma_start3A_7 = tpu.memref_slice %arg3[%mul3A_2] : memref<4096xi32, #tpu.memory_space<hbm>> -> memref<128xi32, #tpu.memory_space<hbm>>
      %dma_start3A_8 = tpu.memref_slice %arg3[%mul3A_2] : memref<4096xi32, #tpu.memory_space<hbm>> -> memref<128xi32, #tpu.memory_space<hbm>>
      tpu.enqueue_dma source(%dma_start3A_8 : memref<128xi32, #tpu.memory_space<hbm>>) target(%arg5 : memref<128xi32, #tpu.memory_space<vmem>>) target_semaphore(%run_scoped3A : memref<!tpu.dma_semaphore, #tpu.memory_space<semaphore_mem>>)
      %dma_wait3A_9 = tpu.memref_slice %arg3[%mul3A_2] : memref<4096xi32, #tpu.memory_space<hbm>> -> memref<128xi32, #tpu.memory_space<hbm>>
      %dma_wait3A_10 = tpu.memref_slice %arg3[%mul3A_2] : memref<4096xi32, #tpu.memory_space<hbm>> -> memref<128xi32, #tpu.memory_space<hbm>>
      tpu.wait_dma2 semaphore(%run_scoped3A : memref<!tpu.dma_semaphore, #tpu.memory_space<semaphore_mem>>) src(%dma_wait3A_10 : memref<128xi32, #tpu.memory_space<hbm>>) dst(%arg5 : memref<128xi32, #tpu.memory_space<vmem>>)
      tpu.yield
    }) : () -> ()
    %dma_start3A = arith.constant 0 : i32
    %dma_start3A_3 = arith.constant 0 : i32
    %dma_start3A_4 = tpu.memref_slice %arg2[%dma_start3A, %dma_start3A_3] : memref<512x128xf32, #tpu.memory_space<hbm>> -> memref<512x128xf32, #tpu.memory_space<hbm>>
    tpu.enqueue_indirect_dma source(%dma_start3A_4 : memref<512x128xf32, #tpu.memory_space<hbm>>) target(%arg6 : memref<128x128xf32, #tpu.memory_space<vmem>>) offsets(%arg5 : memref<128xi32, #tpu.memory_space<vmem>>) semaphore(%arg7 : memref<!tpu.dma_semaphore, #tpu.memory_space<semaphore_mem>>)
    %dma_wait3A = arith.constant 0 : i32
    %dma_wait3A_5 = arith.constant 0 : i32
    %dma_wait3A_6 = tpu.memref_slice %arg2[%dma_wait3A, %dma_wait3A_5] : memref<512x128xf32, #tpu.memory_space<hbm>> -> memref<512x128xf32, #tpu.memory_space<hbm>>
    tpu.wait_indirect_dma semaphore(%arg7 : memref<!tpu.dma_semaphore, #tpu.memory_space<semaphore_mem>>) src(%dma_wait3A_6 : memref<512x128xf32, #tpu.memory_space<hbm>>) dst(%arg6 : memref<128x128xf32, #tpu.memory_space<vmem>>)
    "tpu.region"() ({
      %run_scoped3A = tpu.sem_alloc : memref<!tpu.dma_semaphore, #tpu.memory_space<semaphore_mem>>
      %dma_start3A_7 = arith.constant 0 : i32
      %dma_start3A_8 = tpu.memref_slice %arg4[%mul3A_2, %dma_start3A_7] : memref<4096x128xf32, #tpu.memory_space<hbm>> -> memref<128x128xf32, #tpu.memory_space<hbm>>
      %dma_start3A_9 = arith.constant 0 : i32
      %dma_start3A_10 = tpu.memref_slice %arg4[%mul3A_2, %dma_start3A_9] : memref<4096x128xf32, #tpu.memory_space<hbm>> -> memref<128x128xf32, #tpu.memory_space<hbm>>
      tpu.enqueue_dma source(%arg6 : memref<128x128xf32, #tpu.memory_space<vmem>>) target(%dma_start3A_10 : memref<128x128xf32, #tpu.memory_space<hbm>>) target_semaphore(%run_scoped3A : memref<!tpu.dma_semaphore, #tpu.memory_space<semaphore_mem>>)
      %dma_wait3A_11 = arith.constant 0 : i32
      %dma_wait3A_12 = tpu.memref_slice %arg4[%mul3A_2, %dma_wait3A_11] : memref<4096x128xf32, #tpu.memory_space<hbm>> -> memref<128x128xf32, #tpu.memory_space<hbm>>
      %dma_wait3A_13 = arith.constant 0 : i32
      %dma_wait3A_14 = tpu.memref_slice %arg4[%mul3A_2, %dma_wait3A_13] : memref<4096x128xf32, #tpu.memory_space<hbm>> -> memref<128x128xf32, #tpu.memory_space<hbm>>
      tpu.wait_dma2 semaphore(%run_scoped3A : memref<!tpu.dma_semaphore, #tpu.memory_space<semaphore_mem>>) src(%arg6 : memref<128x128xf32, #tpu.memory_space<vmem>>) dst(%dma_wait3A_14 : memref<128x128xf32, #tpu.memory_space<hbm>>)
      tpu.yield
    }) : () -> ()
    return
  }
}

module attributes {stable_mosaic.version = 14 : i64} {
  func.func @_vq_tc_kernel(%arg0: memref<4x32x32x32xf32, #tpu.memory_space<vmem>>, %arg1: memref<32x512xf32, #tpu.memory_space<vmem>>, %arg2: memref<4x32x32xi32, #tpu.memory_space<vmem>>, %arg3: memref<1x4096xi32, #tpu.memory_space<vmem>>, %arg4: memref<512x128xf32, #tpu.memory_space<vmem>>) attributes {dimension_semantics = [], scalar_prefetch = 0 : i64, scratch_operands = 0 : i64, tpu.core_type = #tpu.core_type<tc>} {
    %get3A = arith.constant 0 : index
    %get3A_0 = arith.constant 0 : index
    %get3A_1 = vector.load %arg1[%get3A, %get3A_0] : memref<32x512xf32, #tpu.memory_space<vmem>>, vector<32x512xf32>
    %mul3A = arith.mulf %get3A_1, %get3A_1 : vector<32x512xf32>
    %reduce_sum3A = arith.constant dense<0.000000e+00> : vector<512xf32>
    %reduce_sum3A_2 = vector.multi_reduction <add>, %mul3A, %reduce_sum3A [0] : vector<32x512xf32> to vector<512xf32>
    %bitcast_convert_type3A = tpu.bitcast %get3A_1 : vector<32x512xf32> -> vector<32x512xi32>
    %and3A = arith.constant -65536 : i32
    %and3A_3 = vector.broadcast %and3A : i32 to vector<32x512xi32>
    %and3A_4 = arith.andi %bitcast_convert_type3A, %and3A_3 : vector<32x512xi32>
    %bitcast_convert_type3A_5 = tpu.bitcast %and3A_4 : vector<32x512xi32> -> vector<32x512xf32>
    %sub3A = arith.subf %get3A_1, %bitcast_convert_type3A_5 : vector<32x512xf32>
    %mul3A_6 = arith.constant -2.000000e+00 : f32
    %mul3A_7 = vector.broadcast %mul3A_6 : f32 to vector<32x512xf32>
    %mul3A_8 = arith.mulf %mul3A_7, %bitcast_convert_type3A_5 : vector<32x512xf32>
    %convert_element_type3A = arith.truncf %mul3A_8 : vector<32x512xf32> to vector<32x512xbf16>
    %mul3A_9 = arith.constant -2.000000e+00 : f32
    %mul3A_10 = vector.broadcast %mul3A_9 : f32 to vector<32x512xf32>
    %mul3A_11 = arith.mulf %mul3A_10, %sub3A : vector<32x512xf32>
    %convert_element_type3A_12 = arith.truncf %mul3A_11 : vector<32x512xf32> to vector<32x512xbf16>
    %convert_element_type3A_13 = arith.truncf %bitcast_convert_type3A_5 : vector<32x512xf32> to vector<32x512xbf16>
    %bitcast_convert_type3A_14 = tpu.bitcast %sub3A : vector<32x512xf32> -> vector<32x512xi32>
    %and3A_15 = arith.constant -65536 : i32
    %and3A_16 = vector.broadcast %and3A_15 : i32 to vector<32x512xi32>
    %and3A_17 = arith.andi %bitcast_convert_type3A_14, %and3A_16 : vector<32x512xi32>
    %bitcast_convert_type3A_18 = tpu.bitcast %and3A_17 : vector<32x512xi32> -> vector<32x512xf32>
    %convert_element_type3A_19 = arith.truncf %bitcast_convert_type3A_18 : vector<32x512xf32> to vector<32x512xbf16>
    %sub3A_20 = arith.subf %sub3A, %bitcast_convert_type3A_18 : vector<32x512xf32>
    %convert_element_type3A_21 = arith.truncf %sub3A_20 : vector<32x512xf32> to vector<32x512xbf16>
    %bitcast_convert_type3A_22 = tpu.bitcast %reduce_sum3A_2 : vector<512xf32> -> vector<512xi32>
    %and3A_23 = arith.constant -65536 : i32
    %and3A_24 = vector.broadcast %and3A_23 : i32 to vector<512xi32>
    %and3A_25 = arith.andi %bitcast_convert_type3A_22, %and3A_24 : vector<512xi32>
    %bitcast_convert_type3A_26 = tpu.bitcast %and3A_25 : vector<512xi32> -> vector<512xf32>
    %convert_element_type3A_27 = arith.truncf %bitcast_convert_type3A_26 : vector<512xf32> to vector<512xbf16>
    %sub3A_28 = arith.subf %reduce_sum3A_2, %bitcast_convert_type3A_26 : vector<512xf32>
    %convert_element_type3A_29 = arith.truncf %sub3A_28 : vector<512xf32> to vector<512xbf16>
    %get3A_30 = arith.constant 0 : index
    %get3A_31 = arith.constant 0 : index
    %get3A_32 = arith.constant 0 : index
    %get3A_33 = arith.constant 0 : index
    %get3A_34 = vector.load %arg0[%get3A_30, %get3A_31, %get3A_32, %get3A_33] : memref<4x32x32x32xf32, #tpu.memory_space<vmem>>, vector<1x32x32x32xf32>
    %get3A_35 = vector.shape_cast %get3A_34 : vector<1x32x32x32xf32> to vector<32x32x32xf32>
    %reshape3A = vector.shape_cast %get3A_35 : vector<32x32x32xf32> to vector<32x1024xf32>
    %get3A_36 = arith.constant 1 : index
    %get3A_37 = arith.constant 0 : index
    %get3A_38 = arith.constant 0 : index
    %get3A_39 = arith.constant 0 : index
    %get3A_40 = vector.load %arg0[%get3A_36, %get3A_37, %get3A_38, %get3A_39] : memref<4x32x32x32xf32, #tpu.memory_space<vmem>>, vector<1x32x32x32xf32>
    %get3A_41 = vector.shape_cast %get3A_40 : vector<1x32x32x32xf32> to vector<32x32x32xf32>
    %reshape3A_42 = vector.shape_cast %get3A_41 : vector<32x32x32xf32> to vector<32x1024xf32>
    %get3A_43 = arith.constant 2 : index
    %get3A_44 = arith.constant 0 : index
    %get3A_45 = arith.constant 0 : index
    %get3A_46 = arith.constant 0 : index
    %get3A_47 = vector.load %arg0[%get3A_43, %get3A_44, %get3A_45, %get3A_46] : memref<4x32x32x32xf32, #tpu.memory_space<vmem>>, vector<1x32x32x32xf32>
    %get3A_48 = vector.shape_cast %get3A_47 : vector<1x32x32x32xf32> to vector<32x32x32xf32>
    %reshape3A_49 = vector.shape_cast %get3A_48 : vector<32x32x32xf32> to vector<32x1024xf32>
    %get3A_50 = arith.constant 3 : index
    %get3A_51 = arith.constant 0 : index
    %get3A_52 = arith.constant 0 : index
    %get3A_53 = arith.constant 0 : index
    %get3A_54 = vector.load %arg0[%get3A_50, %get3A_51, %get3A_52, %get3A_53] : memref<4x32x32x32xf32, #tpu.memory_space<vmem>>, vector<1x32x32x32xf32>
    %get3A_55 = vector.shape_cast %get3A_54 : vector<1x32x32x32xf32> to vector<32x32x32xf32>
    %reshape3A_56 = vector.shape_cast %get3A_55 : vector<32x32x32xf32> to vector<32x1024xf32>
    %concatenate3A = tpu.concatenate %reshape3A, %reshape3A_42, %reshape3A_49, %reshape3A_56 in 1 : vector<32x1024xf32>, vector<32x1024xf32>, vector<32x1024xf32>, vector<32x1024xf32> -> vector<32x4096xf32>
    %bitcast_convert_type3A_57 = tpu.bitcast %concatenate3A : vector<32x4096xf32> -> vector<32x4096xi32>
    %and3A_58 = arith.constant -65536 : i32
    %and3A_59 = vector.broadcast %and3A_58 : i32 to vector<32x4096xi32>
    %and3A_60 = arith.andi %bitcast_convert_type3A_57, %and3A_59 : vector<32x4096xi32>
    %bitcast_convert_type3A_61 = tpu.bitcast %and3A_60 : vector<32x4096xi32> -> vector<32x4096xf32>
    %convert_element_type3A_62 = arith.truncf %bitcast_convert_type3A_61 : vector<32x4096xf32> to vector<32x4096xbf16>
    %sub3A_63 = arith.subf %concatenate3A, %bitcast_convert_type3A_61 : vector<32x4096xf32>
    %convert_element_type3A_64 = arith.truncf %sub3A_63 : vector<32x4096xf32> to vector<32x4096xbf16>
    %broadcast_in_dim3A = arith.constant 1.000000e+00 : bf16
    %broadcast_in_dim3A_65 = vector.broadcast %broadcast_in_dim3A : bf16 to vector<1x4096xbf16>
    %broadcast_in_dim3A_66 = vector.shape_cast %convert_element_type3A_27 : vector<512xbf16> to vector<1x512xbf16>
    %broadcast_in_dim3A_67 = vector.shape_cast %convert_element_type3A_29 : vector<512xbf16> to vector<1x512xbf16>
    %concatenate3A_68 = tpu.concatenate %convert_element_type3A, %convert_element_type3A, %convert_element_type3A_12, %broadcast_in_dim3A_66, %broadcast_in_dim3A_67 in 0 : vector<32x512xbf16>, vector<32x512xbf16>, vector<32x512xbf16>, vector<1x512xbf16>, vector<1x512xbf16> -> vector<98x512xbf16>
    %concatenate3A_69 = tpu.concatenate %convert_element_type3A_62, %convert_element_type3A_64, %convert_element_type3A_62, %broadcast_in_dim3A_65, %broadcast_in_dim3A_65 in 0 : vector<32x4096xbf16>, vector<32x4096xbf16>, vector<32x4096xbf16>, vector<1x4096xbf16>, vector<1x4096xbf16> -> vector<98x4096xbf16>
    %dot_general3A = arith.constant dense<0.000000e+00> : vector<512x4096xf32>
    %dot_general3A_70 = tpu.matmul %concatenate3A_68, %concatenate3A_69, %dot_general3A {dimension_numbers = #tpu.dot_dimension_numbers<[0], [0], [1], [1], [0, 1, 1, 1], [], []>, transpose_lhs_hint = false} : vector<98x512xbf16>, vector<98x4096xbf16>, vector<512x4096xf32> -> vector<512x4096xf32>
    %iota3A = tpu.iota {dimensions = array<i32: 0>} : vector<512x4096xi32>
    %argmin3A = tpu.reduce_index %dot_general3A_70 {axis = 0 : i32, kind = #tpu.reduction_kind<arg_min>} : vector<512x4096xf32> -> vector<4096xi32>
    %broadcast_in_dim3A_71 = vector.shape_cast %argmin3A : vector<4096xi32> to vector<1x4096xi32>
    %eq3A = vector.broadcast %broadcast_in_dim3A_71 : vector<1x4096xi32> to vector<512x4096xi32>
    %eq3A_72 = arith.cmpi eq, %iota3A, %eq3A : vector<512x4096xi32>
    %jit3A = arith.constant 0x7F800000 : f32
    %broadcast_in_dim3A_73 = vector.broadcast %jit3A : f32 to vector<512x4096xf32>
    %select_n3A = arith.select %eq3A_72, %broadcast_in_dim3A_73, %dot_general3A_70 : vector<512x4096xi1>, vector<512x4096xf32>
    %argmin3A_74 = tpu.reduce_index %select_n3A {axis = 0 : i32, kind = #tpu.reduction_kind<arg_min>} : vector<512x4096xf32> -> vector<4096xi32>
    %broadcast_in_dim3A_75 = vector.shape_cast %argmin3A_74 : vector<4096xi32> to vector<1x4096xi32>
    %eq3A_76 = vector.broadcast %broadcast_in_dim3A_75 : vector<1x4096xi32> to vector<512x4096xi32>
    %eq3A_77 = arith.cmpi eq, %iota3A, %eq3A_76 : vector<512x4096xi32>
    %concatenate3A_78 = tpu.concatenate %eq3A_72, %eq3A_77 in 1 : vector<512x4096xi1>, vector<512x4096xi1> -> vector<512x8192xi1>
    %convert_element_type3A_79 = arith.extui %concatenate3A_78 : vector<512x8192xi1> to vector<512x8192xi32>
    %convert_element_type3A_80 = arith.sitofp %convert_element_type3A_79 : vector<512x8192xi32> to vector<512x8192xf32>
    %convert_element_type3A_81 = arith.truncf %convert_element_type3A_80 : vector<512x8192xf32> to vector<512x8192xbf16>
    %dot_general3A_82 = arith.constant dense<0.000000e+00> : vector<32x8192xf32>
    %dot_general3A_83 = tpu.matmul %convert_element_type3A_13, %convert_element_type3A_81, %dot_general3A_82 {dimension_numbers = #tpu.dot_dimension_numbers<[1], [0], [0], [1], [0, 0, 1, 1], [], []>, transpose_lhs_hint = false} : vector<32x512xbf16>, vector<512x8192xbf16>, vector<32x8192xf32> -> vector<32x8192xf32>
    %dot_general3A_84 = arith.constant dense<0.000000e+00> : vector<32x8192xf32>
    %dot_general3A_85 = tpu.matmul %convert_element_type3A_19, %convert_element_type3A_81, %dot_general3A_84 {dimension_numbers = #tpu.dot_dimension_numbers<[1], [0], [0], [1], [0, 0, 1, 1], [], []>, transpose_lhs_hint = false} : vector<32x512xbf16>, vector<512x8192xbf16>, vector<32x8192xf32> -> vector<32x8192xf32>
    %add3A = arith.addf %dot_general3A_83, %dot_general3A_85 : vector<32x8192xf32>
    %dot_general3A_86 = arith.constant dense<0.000000e+00> : vector<32x8192xf32>
    %dot_general3A_87 = tpu.matmul %convert_element_type3A_21, %convert_element_type3A_81, %dot_general3A_86 {dimension_numbers = #tpu.dot_dimension_numbers<[1], [0], [0], [1], [0, 0, 1, 1], [], []>, transpose_lhs_hint = false} : vector<32x512xbf16>, vector<512x8192xbf16>, vector<32x8192xf32> -> vector<32x8192xf32>
    %add3A_88 = arith.addf %add3A, %dot_general3A_87 : vector<32x8192xf32>
    %slice3A = vector.extract_strided_slice %add3A_88 {offsets = [0, 0], sizes = [32, 4096], strides = [1, 1]} : vector<32x8192xf32> to vector<32x4096xf32>
    %slice3A_89 = vector.extract_strided_slice %add3A_88 {offsets = [0, 4096], sizes = [32, 4096], strides = [1, 1]} : vector<32x8192xf32> to vector<32x4096xf32>
    %broadcast_in_dim3A_90 = arith.constant 0.000000e+00 : f32
    %broadcast_in_dim3A_91 = vector.broadcast %broadcast_in_dim3A_90 : f32 to vector<1x4096xf32>
    %broadcast_in_dim3A_92 = arith.constant 0.000000e+00 : f32
    %broadcast_in_dim3A_93 = vector.broadcast %broadcast_in_dim3A_92 : f32 to vector<1x4096xf32>
    %slice3A_94 = vector.extract_strided_slice %concatenate3A {offsets = [0, 0], sizes = [1, 4096], strides = [1, 1]} : vector<32x4096xf32> to vector<1x4096xf32>
    %slice3A_95 = vector.extract_strided_slice %slice3A {offsets = [0, 0], sizes = [1, 4096], strides = [1, 1]} : vector<32x4096xf32> to vector<1x4096xf32>
    %sub3A_96 = arith.subf %slice3A_94, %slice3A_95 : vector<1x4096xf32>
    %slice3A_97 = vector.extract_strided_slice %concatenate3A {offsets = [0, 0], sizes = [1, 4096], strides = [1, 1]} : vector<32x4096xf32> to vector<1x4096xf32>
    %slice3A_98 = vector.extract_strided_slice %slice3A_89 {offsets = [0, 0], sizes = [1, 4096], strides = [1, 1]} : vector<32x4096xf32> to vector<1x4096xf32>
    %sub3A_99 = arith.subf %slice3A_97, %slice3A_98 : vector<1x4096xf32>
    %mul3A_100 = arith.mulf %sub3A_96, %sub3A_96 : vector<1x4096xf32>
    %add3A_101 = arith.addf %broadcast_in_dim3A_91, %mul3A_100 : vector<1x4096xf32>
    %mul3A_102 = arith.mulf %sub3A_99, %sub3A_99 : vector<1x4096xf32>
    %add3A_103 = arith.addf %broadcast_in_dim3A_93, %mul3A_102 : vector<1x4096xf32>
    %slice3A_104 = vector.extract_strided_slice %concatenate3A {offsets = [1, 0], sizes = [1, 4096], strides = [1, 1]} : vector<32x4096xf32> to vector<1x4096xf32>
    %slice3A_105 = vector.extract_strided_slice %slice3A {offsets = [1, 0], sizes = [1, 4096], strides = [1, 1]} : vector<32x4096xf32> to vector<1x4096xf32>
    %sub3A_106 = arith.subf %slice3A_104, %slice3A_105 : vector<1x4096xf32>
    %slice3A_107 = vector.extract_strided_slice %concatenate3A {offsets = [1, 0], sizes = [1, 4096], strides = [1, 1]} : vector<32x4096xf32> to vector<1x4096xf32>
    %slice3A_108 = vector.extract_strided_slice %slice3A_89 {offsets = [1, 0], sizes = [1, 4096], strides = [1, 1]} : vector<32x4096xf32> to vector<1x4096xf32>
    %sub3A_109 = arith.subf %slice3A_107, %slice3A_108 : vector<1x4096xf32>
    %mul3A_110 = arith.mulf %sub3A_106, %sub3A_106 : vector<1x4096xf32>
    %add3A_111 = arith.addf %add3A_101, %mul3A_110 : vector<1x4096xf32>
    %mul3A_112 = arith.mulf %sub3A_109, %sub3A_109 : vector<1x4096xf32>
    %add3A_113 = arith.addf %add3A_103, %mul3A_112 : vector<1x4096xf32>
    %slice3A_114 = vector.extract_strided_slice %concatenate3A {offsets = [2, 0], sizes = [1, 4096], strides = [1, 1]} : vector<32x4096xf32> to vector<1x4096xf32>
    %slice3A_115 = vector.extract_strided_slice %slice3A {offsets = [2, 0], sizes = [1, 4096], strides = [1, 1]} : vector<32x4096xf32> to vector<1x4096xf32>
    %sub3A_116 = arith.subf %slice3A_114, %slice3A_115 : vector<1x4096xf32>
    %slice3A_117 = vector.extract_strided_slice %concatenate3A {offsets = [2, 0], sizes = [1, 4096], strides = [1, 1]} : vector<32x4096xf32> to vector<1x4096xf32>
    %slice3A_118 = vector.extract_strided_slice %slice3A_89 {offsets = [2, 0], sizes = [1, 4096], strides = [1, 1]} : vector<32x4096xf32> to vector<1x4096xf32>
    %sub3A_119 = arith.subf %slice3A_117, %slice3A_118 : vector<1x4096xf32>
    %mul3A_120 = arith.mulf %sub3A_116, %sub3A_116 : vector<1x4096xf32>
    %add3A_121 = arith.addf %add3A_111, %mul3A_120 : vector<1x4096xf32>
    %mul3A_122 = arith.mulf %sub3A_119, %sub3A_119 : vector<1x4096xf32>
    %add3A_123 = arith.addf %add3A_113, %mul3A_122 : vector<1x4096xf32>
    %slice3A_124 = vector.extract_strided_slice %concatenate3A {offsets = [3, 0], sizes = [1, 4096], strides = [1, 1]} : vector<32x4096xf32> to vector<1x4096xf32>
    %slice3A_125 = vector.extract_strided_slice %slice3A {offsets = [3, 0], sizes = [1, 4096], strides = [1, 1]} : vector<32x4096xf32> to vector<1x4096xf32>
    %sub3A_126 = arith.subf %slice3A_124, %slice3A_125 : vector<1x4096xf32>
    %slice3A_127 = vector.extract_strided_slice %concatenate3A {offsets = [3, 0], sizes = [1, 4096], strides = [1, 1]} : vector<32x4096xf32> to vector<1x4096xf32>
    %slice3A_128 = vector.extract_strided_slice %slice3A_89 {offsets = [3, 0], sizes = [1, 4096], strides = [1, 1]} : vector<32x4096xf32> to vector<1x4096xf32>
    %sub3A_129 = arith.subf %slice3A_127, %slice3A_128 : vector<1x4096xf32>
    %mul3A_130 = arith.mulf %sub3A_126, %sub3A_126 : vector<1x4096xf32>
    %add3A_131 = arith.addf %add3A_121, %mul3A_130 : vector<1x4096xf32>
    %mul3A_132 = arith.mulf %sub3A_129, %sub3A_129 : vector<1x4096xf32>
    %add3A_133 = arith.addf %add3A_123, %mul3A_132 : vector<1x4096xf32>
    %slice3A_134 = vector.extract_strided_slice %concatenate3A {offsets = [4, 0], sizes = [1, 4096], strides = [1, 1]} : vector<32x4096xf32> to vector<1x4096xf32>
    %slice3A_135 = vector.extract_strided_slice %slice3A {offsets = [4, 0], sizes = [1, 4096], strides = [1, 1]} : vector<32x4096xf32> to vector<1x4096xf32>
    %sub3A_136 = arith.subf %slice3A_134, %slice3A_135 : vector<1x4096xf32>
    %slice3A_137 = vector.extract_strided_slice %concatenate3A {offsets = [4, 0], sizes = [1, 4096], strides = [1, 1]} : vector<32x4096xf32> to vector<1x4096xf32>
    %slice3A_138 = vector.extract_strided_slice %slice3A_89 {offsets = [4, 0], sizes = [1, 4096], strides = [1, 1]} : vector<32x4096xf32> to vector<1x4096xf32>
    %sub3A_139 = arith.subf %slice3A_137, %slice3A_138 : vector<1x4096xf32>
    %mul3A_140 = arith.mulf %sub3A_136, %sub3A_136 : vector<1x4096xf32>
    %add3A_141 = arith.addf %add3A_131, %mul3A_140 : vector<1x4096xf32>
    %mul3A_142 = arith.mulf %sub3A_139, %sub3A_139 : vector<1x4096xf32>
    %add3A_143 = arith.addf %add3A_133, %mul3A_142 : vector<1x4096xf32>
    %slice3A_144 = vector.extract_strided_slice %concatenate3A {offsets = [5, 0], sizes = [1, 4096], strides = [1, 1]} : vector<32x4096xf32> to vector<1x4096xf32>
    %slice3A_145 = vector.extract_strided_slice %slice3A {offsets = [5, 0], sizes = [1, 4096], strides = [1, 1]} : vector<32x4096xf32> to vector<1x4096xf32>
    %sub3A_146 = arith.subf %slice3A_144, %slice3A_145 : vector<1x4096xf32>
    %slice3A_147 = vector.extract_strided_slice %concatenate3A {offsets = [5, 0], sizes = [1, 4096], strides = [1, 1]} : vector<32x4096xf32> to vector<1x4096xf32>
    %slice3A_148 = vector.extract_strided_slice %slice3A_89 {offsets = [5, 0], sizes = [1, 4096], strides = [1, 1]} : vector<32x4096xf32> to vector<1x4096xf32>
    %sub3A_149 = arith.subf %slice3A_147, %slice3A_148 : vector<1x4096xf32>
    %mul3A_150 = arith.mulf %sub3A_146, %sub3A_146 : vector<1x4096xf32>
    %add3A_151 = arith.addf %add3A_141, %mul3A_150 : vector<1x4096xf32>
    %mul3A_152 = arith.mulf %sub3A_149, %sub3A_149 : vector<1x4096xf32>
    %add3A_153 = arith.addf %add3A_143, %mul3A_152 : vector<1x4096xf32>
    %slice3A_154 = vector.extract_strided_slice %concatenate3A {offsets = [6, 0], sizes = [1, 4096], strides = [1, 1]} : vector<32x4096xf32> to vector<1x4096xf32>
    %slice3A_155 = vector.extract_strided_slice %slice3A {offsets = [6, 0], sizes = [1, 4096], strides = [1, 1]} : vector<32x4096xf32> to vector<1x4096xf32>
    %sub3A_156 = arith.subf %slice3A_154, %slice3A_155 : vector<1x4096xf32>
    %slice3A_157 = vector.extract_strided_slice %concatenate3A {offsets = [6, 0], sizes = [1, 4096], strides = [1, 1]} : vector<32x4096xf32> to vector<1x4096xf32>
    %slice3A_158 = vector.extract_strided_slice %slice3A_89 {offsets = [6, 0], sizes = [1, 4096], strides = [1, 1]} : vector<32x4096xf32> to vector<1x4096xf32>
    %sub3A_159 = arith.subf %slice3A_157, %slice3A_158 : vector<1x4096xf32>
    %mul3A_160 = arith.mulf %sub3A_156, %sub3A_156 : vector<1x4096xf32>
    %add3A_161 = arith.addf %add3A_151, %mul3A_160 : vector<1x4096xf32>
    %mul3A_162 = arith.mulf %sub3A_159, %sub3A_159 : vector<1x4096xf32>
    %add3A_163 = arith.addf %add3A_153, %mul3A_162 : vector<1x4096xf32>
    %slice3A_164 = vector.extract_strided_slice %concatenate3A {offsets = [7, 0], sizes = [1, 4096], strides = [1, 1]} : vector<32x4096xf32> to vector<1x4096xf32>
    %slice3A_165 = vector.extract_strided_slice %slice3A {offsets = [7, 0], sizes = [1, 4096], strides = [1, 1]} : vector<32x4096xf32> to vector<1x4096xf32>
    %sub3A_166 = arith.subf %slice3A_164, %slice3A_165 : vector<1x4096xf32>
    %slice3A_167 = vector.extract_strided_slice %concatenate3A {offsets = [7, 0], sizes = [1, 4096], strides = [1, 1]} : vector<32x4096xf32> to vector<1x4096xf32>
    %slice3A_168 = vector.extract_strided_slice %slice3A_89 {offsets = [7, 0], sizes = [1, 4096], strides = [1, 1]} : vector<32x4096xf32> to vector<1x4096xf32>
    %sub3A_169 = arith.subf %slice3A_167, %slice3A_168 : vector<1x4096xf32>
    %mul3A_170 = arith.mulf %sub3A_166, %sub3A_166 : vector<1x4096xf32>
    %add3A_171 = arith.addf %add3A_161, %mul3A_170 : vector<1x4096xf32>
    %mul3A_172 = arith.mulf %sub3A_169, %sub3A_169 : vector<1x4096xf32>
    %add3A_173 = arith.addf %add3A_163, %mul3A_172 : vector<1x4096xf32>
    %slice3A_174 = vector.extract_strided_slice %concatenate3A {offsets = [8, 0], sizes = [1, 4096], strides = [1, 1]} : vector<32x4096xf32> to vector<1x4096xf32>
    %slice3A_175 = vector.extract_strided_slice %slice3A {offsets = [8, 0], sizes = [1, 4096], strides = [1, 1]} : vector<32x4096xf32> to vector<1x4096xf32>
    %sub3A_176 = arith.subf %slice3A_174, %slice3A_175 : vector<1x4096xf32>
    %slice3A_177 = vector.extract_strided_slice %concatenate3A {offsets = [8, 0], sizes = [1, 4096], strides = [1, 1]} : vector<32x4096xf32> to vector<1x4096xf32>
    %slice3A_178 = vector.extract_strided_slice %slice3A_89 {offsets = [8, 0], sizes = [1, 4096], strides = [1, 1]} : vector<32x4096xf32> to vector<1x4096xf32>
    %sub3A_179 = arith.subf %slice3A_177, %slice3A_178 : vector<1x4096xf32>
    %mul3A_180 = arith.mulf %sub3A_176, %sub3A_176 : vector<1x4096xf32>
    %add3A_181 = arith.addf %add3A_171, %mul3A_180 : vector<1x4096xf32>
    %mul3A_182 = arith.mulf %sub3A_179, %sub3A_179 : vector<1x4096xf32>
    %add3A_183 = arith.addf %add3A_173, %mul3A_182 : vector<1x4096xf32>
    %slice3A_184 = vector.extract_strided_slice %concatenate3A {offsets = [9, 0], sizes = [1, 4096], strides = [1, 1]} : vector<32x4096xf32> to vector<1x4096xf32>
    %slice3A_185 = vector.extract_strided_slice %slice3A {offsets = [9, 0], sizes = [1, 4096], strides = [1, 1]} : vector<32x4096xf32> to vector<1x4096xf32>
    %sub3A_186 = arith.subf %slice3A_184, %slice3A_185 : vector<1x4096xf32>
    %slice3A_187 = vector.extract_strided_slice %concatenate3A {offsets = [9, 0], sizes = [1, 4096], strides = [1, 1]} : vector<32x4096xf32> to vector<1x4096xf32>
    %slice3A_188 = vector.extract_strided_slice %slice3A_89 {offsets = [9, 0], sizes = [1, 4096], strides = [1, 1]} : vector<32x4096xf32> to vector<1x4096xf32>
    %sub3A_189 = arith.subf %slice3A_187, %slice3A_188 : vector<1x4096xf32>
    %mul3A_190 = arith.mulf %sub3A_186, %sub3A_186 : vector<1x4096xf32>
    %add3A_191 = arith.addf %add3A_181, %mul3A_190 : vector<1x4096xf32>
    %mul3A_192 = arith.mulf %sub3A_189, %sub3A_189 : vector<1x4096xf32>
    %add3A_193 = arith.addf %add3A_183, %mul3A_192 : vector<1x4096xf32>
    %slice3A_194 = vector.extract_strided_slice %concatenate3A {offsets = [10, 0], sizes = [1, 4096], strides = [1, 1]} : vector<32x4096xf32> to vector<1x4096xf32>
    %slice3A_195 = vector.extract_strided_slice %slice3A {offsets = [10, 0], sizes = [1, 4096], strides = [1, 1]} : vector<32x4096xf32> to vector<1x4096xf32>
    %sub3A_196 = arith.subf %slice3A_194, %slice3A_195 : vector<1x4096xf32>
    %slice3A_197 = vector.extract_strided_slice %concatenate3A {offsets = [10, 0], sizes = [1, 4096], strides = [1, 1]} : vector<32x4096xf32> to vector<1x4096xf32>
    %slice3A_198 = vector.extract_strided_slice %slice3A_89 {offsets = [10, 0], sizes = [1, 4096], strides = [1, 1]} : vector<32x4096xf32> to vector<1x4096xf32>
    %sub3A_199 = arith.subf %slice3A_197, %slice3A_198 : vector<1x4096xf32>
    %mul3A_200 = arith.mulf %sub3A_196, %sub3A_196 : vector<1x4096xf32>
    %add3A_201 = arith.addf %add3A_191, %mul3A_200 : vector<1x4096xf32>
    %mul3A_202 = arith.mulf %sub3A_199, %sub3A_199 : vector<1x4096xf32>
    %add3A_203 = arith.addf %add3A_193, %mul3A_202 : vector<1x4096xf32>
    %slice3A_204 = vector.extract_strided_slice %concatenate3A {offsets = [11, 0], sizes = [1, 4096], strides = [1, 1]} : vector<32x4096xf32> to vector<1x4096xf32>
    %slice3A_205 = vector.extract_strided_slice %slice3A {offsets = [11, 0], sizes = [1, 4096], strides = [1, 1]} : vector<32x4096xf32> to vector<1x4096xf32>
    %sub3A_206 = arith.subf %slice3A_204, %slice3A_205 : vector<1x4096xf32>
    %slice3A_207 = vector.extract_strided_slice %concatenate3A {offsets = [11, 0], sizes = [1, 4096], strides = [1, 1]} : vector<32x4096xf32> to vector<1x4096xf32>
    %slice3A_208 = vector.extract_strided_slice %slice3A_89 {offsets = [11, 0], sizes = [1, 4096], strides = [1, 1]} : vector<32x4096xf32> to vector<1x4096xf32>
    %sub3A_209 = arith.subf %slice3A_207, %slice3A_208 : vector<1x4096xf32>
    %mul3A_210 = arith.mulf %sub3A_206, %sub3A_206 : vector<1x4096xf32>
    %add3A_211 = arith.addf %add3A_201, %mul3A_210 : vector<1x4096xf32>
    %mul3A_212 = arith.mulf %sub3A_209, %sub3A_209 : vector<1x4096xf32>
    %add3A_213 = arith.addf %add3A_203, %mul3A_212 : vector<1x4096xf32>
    %slice3A_214 = vector.extract_strided_slice %concatenate3A {offsets = [12, 0], sizes = [1, 4096], strides = [1, 1]} : vector<32x4096xf32> to vector<1x4096xf32>
    %slice3A_215 = vector.extract_strided_slice %slice3A {offsets = [12, 0], sizes = [1, 4096], strides = [1, 1]} : vector<32x4096xf32> to vector<1x4096xf32>
    %sub3A_216 = arith.subf %slice3A_214, %slice3A_215 : vector<1x4096xf32>
    %slice3A_217 = vector.extract_strided_slice %concatenate3A {offsets = [12, 0], sizes = [1, 4096], strides = [1, 1]} : vector<32x4096xf32> to vector<1x4096xf32>
    %slice3A_218 = vector.extract_strided_slice %slice3A_89 {offsets = [12, 0], sizes = [1, 4096], strides = [1, 1]} : vector<32x4096xf32> to vector<1x4096xf32>
    %sub3A_219 = arith.subf %slice3A_217, %slice3A_218 : vector<1x4096xf32>
    %mul3A_220 = arith.mulf %sub3A_216, %sub3A_216 : vector<1x4096xf32>
    %add3A_221 = arith.addf %add3A_211, %mul3A_220 : vector<1x4096xf32>
    %mul3A_222 = arith.mulf %sub3A_219, %sub3A_219 : vector<1x4096xf32>
    %add3A_223 = arith.addf %add3A_213, %mul3A_222 : vector<1x4096xf32>
    %slice3A_224 = vector.extract_strided_slice %concatenate3A {offsets = [13, 0], sizes = [1, 4096], strides = [1, 1]} : vector<32x4096xf32> to vector<1x4096xf32>
    %slice3A_225 = vector.extract_strided_slice %slice3A {offsets = [13, 0], sizes = [1, 4096], strides = [1, 1]} : vector<32x4096xf32> to vector<1x4096xf32>
    %sub3A_226 = arith.subf %slice3A_224, %slice3A_225 : vector<1x4096xf32>
    %slice3A_227 = vector.extract_strided_slice %concatenate3A {offsets = [13, 0], sizes = [1, 4096], strides = [1, 1]} : vector<32x4096xf32> to vector<1x4096xf32>
    %slice3A_228 = vector.extract_strided_slice %slice3A_89 {offsets = [13, 0], sizes = [1, 4096], strides = [1, 1]} : vector<32x4096xf32> to vector<1x4096xf32>
    %sub3A_229 = arith.subf %slice3A_227, %slice3A_228 : vector<1x4096xf32>
    %mul3A_230 = arith.mulf %sub3A_226, %sub3A_226 : vector<1x4096xf32>
    %add3A_231 = arith.addf %add3A_221, %mul3A_230 : vector<1x4096xf32>
    %mul3A_232 = arith.mulf %sub3A_229, %sub3A_229 : vector<1x4096xf32>
    %add3A_233 = arith.addf %add3A_223, %mul3A_232 : vector<1x4096xf32>
    %slice3A_234 = vector.extract_strided_slice %concatenate3A {offsets = [14, 0], sizes = [1, 4096], strides = [1, 1]} : vector<32x4096xf32> to vector<1x4096xf32>
    %slice3A_235 = vector.extract_strided_slice %slice3A {offsets = [14, 0], sizes = [1, 4096], strides = [1, 1]} : vector<32x4096xf32> to vector<1x4096xf32>
    %sub3A_236 = arith.subf %slice3A_234, %slice3A_235 : vector<1x4096xf32>
    %slice3A_237 = vector.extract_strided_slice %concatenate3A {offsets = [14, 0], sizes = [1, 4096], strides = [1, 1]} : vector<32x4096xf32> to vector<1x4096xf32>
    %slice3A_238 = vector.extract_strided_slice %slice3A_89 {offsets = [14, 0], sizes = [1, 4096], strides = [1, 1]} : vector<32x4096xf32> to vector<1x4096xf32>
    %sub3A_239 = arith.subf %slice3A_237, %slice3A_238 : vector<1x4096xf32>
    %mul3A_240 = arith.mulf %sub3A_236, %sub3A_236 : vector<1x4096xf32>
    %add3A_241 = arith.addf %add3A_231, %mul3A_240 : vector<1x4096xf32>
    %mul3A_242 = arith.mulf %sub3A_239, %sub3A_239 : vector<1x4096xf32>
    %add3A_243 = arith.addf %add3A_233, %mul3A_242 : vector<1x4096xf32>
    %slice3A_244 = vector.extract_strided_slice %concatenate3A {offsets = [15, 0], sizes = [1, 4096], strides = [1, 1]} : vector<32x4096xf32> to vector<1x4096xf32>
    %slice3A_245 = vector.extract_strided_slice %slice3A {offsets = [15, 0], sizes = [1, 4096], strides = [1, 1]} : vector<32x4096xf32> to vector<1x4096xf32>
    %sub3A_246 = arith.subf %slice3A_244, %slice3A_245 : vector<1x4096xf32>
    %slice3A_247 = vector.extract_strided_slice %concatenate3A {offsets = [15, 0], sizes = [1, 4096], strides = [1, 1]} : vector<32x4096xf32> to vector<1x4096xf32>
    %slice3A_248 = vector.extract_strided_slice %slice3A_89 {offsets = [15, 0], sizes = [1, 4096], strides = [1, 1]} : vector<32x4096xf32> to vector<1x4096xf32>
    %sub3A_249 = arith.subf %slice3A_247, %slice3A_248 : vector<1x4096xf32>
    %mul3A_250 = arith.mulf %sub3A_246, %sub3A_246 : vector<1x4096xf32>
    %add3A_251 = arith.addf %add3A_241, %mul3A_250 : vector<1x4096xf32>
    %mul3A_252 = arith.mulf %sub3A_249, %sub3A_249 : vector<1x4096xf32>
    %add3A_253 = arith.addf %add3A_243, %mul3A_252 : vector<1x4096xf32>
    %slice3A_254 = vector.extract_strided_slice %concatenate3A {offsets = [16, 0], sizes = [1, 4096], strides = [1, 1]} : vector<32x4096xf32> to vector<1x4096xf32>
    %slice3A_255 = vector.extract_strided_slice %slice3A {offsets = [16, 0], sizes = [1, 4096], strides = [1, 1]} : vector<32x4096xf32> to vector<1x4096xf32>
    %sub3A_256 = arith.subf %slice3A_254, %slice3A_255 : vector<1x4096xf32>
    %slice3A_257 = vector.extract_strided_slice %concatenate3A {offsets = [16, 0], sizes = [1, 4096], strides = [1, 1]} : vector<32x4096xf32> to vector<1x4096xf32>
    %slice3A_258 = vector.extract_strided_slice %slice3A_89 {offsets = [16, 0], sizes = [1, 4096], strides = [1, 1]} : vector<32x4096xf32> to vector<1x4096xf32>
    %sub3A_259 = arith.subf %slice3A_257, %slice3A_258 : vector<1x4096xf32>
    %mul3A_260 = arith.mulf %sub3A_256, %sub3A_256 : vector<1x4096xf32>
    %add3A_261 = arith.addf %add3A_251, %mul3A_260 : vector<1x4096xf32>
    %mul3A_262 = arith.mulf %sub3A_259, %sub3A_259 : vector<1x4096xf32>
    %add3A_263 = arith.addf %add3A_253, %mul3A_262 : vector<1x4096xf32>
    %slice3A_264 = vector.extract_strided_slice %concatenate3A {offsets = [17, 0], sizes = [1, 4096], strides = [1, 1]} : vector<32x4096xf32> to vector<1x4096xf32>
    %slice3A_265 = vector.extract_strided_slice %slice3A {offsets = [17, 0], sizes = [1, 4096], strides = [1, 1]} : vector<32x4096xf32> to vector<1x4096xf32>
    %sub3A_266 = arith.subf %slice3A_264, %slice3A_265 : vector<1x4096xf32>
    %slice3A_267 = vector.extract_strided_slice %concatenate3A {offsets = [17, 0], sizes = [1, 4096], strides = [1, 1]} : vector<32x4096xf32> to vector<1x4096xf32>
    %slice3A_268 = vector.extract_strided_slice %slice3A_89 {offsets = [17, 0], sizes = [1, 4096], strides = [1, 1]} : vector<32x4096xf32> to vector<1x4096xf32>
    %sub3A_269 = arith.subf %slice3A_267, %slice3A_268 : vector<1x4096xf32>
    %mul3A_270 = arith.mulf %sub3A_266, %sub3A_266 : vector<1x4096xf32>
    %add3A_271 = arith.addf %add3A_261, %mul3A_270 : vector<1x4096xf32>
    %mul3A_272 = arith.mulf %sub3A_269, %sub3A_269 : vector<1x4096xf32>
    %add3A_273 = arith.addf %add3A_263, %mul3A_272 : vector<1x4096xf32>
    %slice3A_274 = vector.extract_strided_slice %concatenate3A {offsets = [18, 0], sizes = [1, 4096], strides = [1, 1]} : vector<32x4096xf32> to vector<1x4096xf32>
    %slice3A_275 = vector.extract_strided_slice %slice3A {offsets = [18, 0], sizes = [1, 4096], strides = [1, 1]} : vector<32x4096xf32> to vector<1x4096xf32>
    %sub3A_276 = arith.subf %slice3A_274, %slice3A_275 : vector<1x4096xf32>
    %slice3A_277 = vector.extract_strided_slice %concatenate3A {offsets = [18, 0], sizes = [1, 4096], strides = [1, 1]} : vector<32x4096xf32> to vector<1x4096xf32>
    %slice3A_278 = vector.extract_strided_slice %slice3A_89 {offsets = [18, 0], sizes = [1, 4096], strides = [1, 1]} : vector<32x4096xf32> to vector<1x4096xf32>
    %sub3A_279 = arith.subf %slice3A_277, %slice3A_278 : vector<1x4096xf32>
    %mul3A_280 = arith.mulf %sub3A_276, %sub3A_276 : vector<1x4096xf32>
    %add3A_281 = arith.addf %add3A_271, %mul3A_280 : vector<1x4096xf32>
    %mul3A_282 = arith.mulf %sub3A_279, %sub3A_279 : vector<1x4096xf32>
    %add3A_283 = arith.addf %add3A_273, %mul3A_282 : vector<1x4096xf32>
    %slice3A_284 = vector.extract_strided_slice %concatenate3A {offsets = [19, 0], sizes = [1, 4096], strides = [1, 1]} : vector<32x4096xf32> to vector<1x4096xf32>
    %slice3A_285 = vector.extract_strided_slice %slice3A {offsets = [19, 0], sizes = [1, 4096], strides = [1, 1]} : vector<32x4096xf32> to vector<1x4096xf32>
    %sub3A_286 = arith.subf %slice3A_284, %slice3A_285 : vector<1x4096xf32>
    %slice3A_287 = vector.extract_strided_slice %concatenate3A {offsets = [19, 0], sizes = [1, 4096], strides = [1, 1]} : vector<32x4096xf32> to vector<1x4096xf32>
    %slice3A_288 = vector.extract_strided_slice %slice3A_89 {offsets = [19, 0], sizes = [1, 4096], strides = [1, 1]} : vector<32x4096xf32> to vector<1x4096xf32>
    %sub3A_289 = arith.subf %slice3A_287, %slice3A_288 : vector<1x4096xf32>
    %mul3A_290 = arith.mulf %sub3A_286, %sub3A_286 : vector<1x4096xf32>
    %add3A_291 = arith.addf %add3A_281, %mul3A_290 : vector<1x4096xf32>
    %mul3A_292 = arith.mulf %sub3A_289, %sub3A_289 : vector<1x4096xf32>
    %add3A_293 = arith.addf %add3A_283, %mul3A_292 : vector<1x4096xf32>
    %slice3A_294 = vector.extract_strided_slice %concatenate3A {offsets = [20, 0], sizes = [1, 4096], strides = [1, 1]} : vector<32x4096xf32> to vector<1x4096xf32>
    %slice3A_295 = vector.extract_strided_slice %slice3A {offsets = [20, 0], sizes = [1, 4096], strides = [1, 1]} : vector<32x4096xf32> to vector<1x4096xf32>
    %sub3A_296 = arith.subf %slice3A_294, %slice3A_295 : vector<1x4096xf32>
    %slice3A_297 = vector.extract_strided_slice %concatenate3A {offsets = [20, 0], sizes = [1, 4096], strides = [1, 1]} : vector<32x4096xf32> to vector<1x4096xf32>
    %slice3A_298 = vector.extract_strided_slice %slice3A_89 {offsets = [20, 0], sizes = [1, 4096], strides = [1, 1]} : vector<32x4096xf32> to vector<1x4096xf32>
    %sub3A_299 = arith.subf %slice3A_297, %slice3A_298 : vector<1x4096xf32>
    %mul3A_300 = arith.mulf %sub3A_296, %sub3A_296 : vector<1x4096xf32>
    %add3A_301 = arith.addf %add3A_291, %mul3A_300 : vector<1x4096xf32>
    %mul3A_302 = arith.mulf %sub3A_299, %sub3A_299 : vector<1x4096xf32>
    %add3A_303 = arith.addf %add3A_293, %mul3A_302 : vector<1x4096xf32>
    %slice3A_304 = vector.extract_strided_slice %concatenate3A {offsets = [21, 0], sizes = [1, 4096], strides = [1, 1]} : vector<32x4096xf32> to vector<1x4096xf32>
    %slice3A_305 = vector.extract_strided_slice %slice3A {offsets = [21, 0], sizes = [1, 4096], strides = [1, 1]} : vector<32x4096xf32> to vector<1x4096xf32>
    %sub3A_306 = arith.subf %slice3A_304, %slice3A_305 : vector<1x4096xf32>
    %slice3A_307 = vector.extract_strided_slice %concatenate3A {offsets = [21, 0], sizes = [1, 4096], strides = [1, 1]} : vector<32x4096xf32> to vector<1x4096xf32>
    %slice3A_308 = vector.extract_strided_slice %slice3A_89 {offsets = [21, 0], sizes = [1, 4096], strides = [1, 1]} : vector<32x4096xf32> to vector<1x4096xf32>
    %sub3A_309 = arith.subf %slice3A_307, %slice3A_308 : vector<1x4096xf32>
    %mul3A_310 = arith.mulf %sub3A_306, %sub3A_306 : vector<1x4096xf32>
    %add3A_311 = arith.addf %add3A_301, %mul3A_310 : vector<1x4096xf32>
    %mul3A_312 = arith.mulf %sub3A_309, %sub3A_309 : vector<1x4096xf32>
    %add3A_313 = arith.addf %add3A_303, %mul3A_312 : vector<1x4096xf32>
    %slice3A_314 = vector.extract_strided_slice %concatenate3A {offsets = [22, 0], sizes = [1, 4096], strides = [1, 1]} : vector<32x4096xf32> to vector<1x4096xf32>
    %slice3A_315 = vector.extract_strided_slice %slice3A {offsets = [22, 0], sizes = [1, 4096], strides = [1, 1]} : vector<32x4096xf32> to vector<1x4096xf32>
    %sub3A_316 = arith.subf %slice3A_314, %slice3A_315 : vector<1x4096xf32>
    %slice3A_317 = vector.extract_strided_slice %concatenate3A {offsets = [22, 0], sizes = [1, 4096], strides = [1, 1]} : vector<32x4096xf32> to vector<1x4096xf32>
    %slice3A_318 = vector.extract_strided_slice %slice3A_89 {offsets = [22, 0], sizes = [1, 4096], strides = [1, 1]} : vector<32x4096xf32> to vector<1x4096xf32>
    %sub3A_319 = arith.subf %slice3A_317, %slice3A_318 : vector<1x4096xf32>
    %mul3A_320 = arith.mulf %sub3A_316, %sub3A_316 : vector<1x4096xf32>
    %add3A_321 = arith.addf %add3A_311, %mul3A_320 : vector<1x4096xf32>
    %mul3A_322 = arith.mulf %sub3A_319, %sub3A_319 : vector<1x4096xf32>
    %add3A_323 = arith.addf %add3A_313, %mul3A_322 : vector<1x4096xf32>
    %slice3A_324 = vector.extract_strided_slice %concatenate3A {offsets = [23, 0], sizes = [1, 4096], strides = [1, 1]} : vector<32x4096xf32> to vector<1x4096xf32>
    %slice3A_325 = vector.extract_strided_slice %slice3A {offsets = [23, 0], sizes = [1, 4096], strides = [1, 1]} : vector<32x4096xf32> to vector<1x4096xf32>
    %sub3A_326 = arith.subf %slice3A_324, %slice3A_325 : vector<1x4096xf32>
    %slice3A_327 = vector.extract_strided_slice %concatenate3A {offsets = [23, 0], sizes = [1, 4096], strides = [1, 1]} : vector<32x4096xf32> to vector<1x4096xf32>
    %slice3A_328 = vector.extract_strided_slice %slice3A_89 {offsets = [23, 0], sizes = [1, 4096], strides = [1, 1]} : vector<32x4096xf32> to vector<1x4096xf32>
    %sub3A_329 = arith.subf %slice3A_327, %slice3A_328 : vector<1x4096xf32>
    %mul3A_330 = arith.mulf %sub3A_326, %sub3A_326 : vector<1x4096xf32>
    %add3A_331 = arith.addf %add3A_321, %mul3A_330 : vector<1x4096xf32>
    %mul3A_332 = arith.mulf %sub3A_329, %sub3A_329 : vector<1x4096xf32>
    %add3A_333 = arith.addf %add3A_323, %mul3A_332 : vector<1x4096xf32>
    %slice3A_334 = vector.extract_strided_slice %concatenate3A {offsets = [24, 0], sizes = [1, 4096], strides = [1, 1]} : vector<32x4096xf32> to vector<1x4096xf32>
    %slice3A_335 = vector.extract_strided_slice %slice3A {offsets = [24, 0], sizes = [1, 4096], strides = [1, 1]} : vector<32x4096xf32> to vector<1x4096xf32>
    %sub3A_336 = arith.subf %slice3A_334, %slice3A_335 : vector<1x4096xf32>
    %slice3A_337 = vector.extract_strided_slice %concatenate3A {offsets = [24, 0], sizes = [1, 4096], strides = [1, 1]} : vector<32x4096xf32> to vector<1x4096xf32>
    %slice3A_338 = vector.extract_strided_slice %slice3A_89 {offsets = [24, 0], sizes = [1, 4096], strides = [1, 1]} : vector<32x4096xf32> to vector<1x4096xf32>
    %sub3A_339 = arith.subf %slice3A_337, %slice3A_338 : vector<1x4096xf32>
    %mul3A_340 = arith.mulf %sub3A_336, %sub3A_336 : vector<1x4096xf32>
    %add3A_341 = arith.addf %add3A_331, %mul3A_340 : vector<1x4096xf32>
    %mul3A_342 = arith.mulf %sub3A_339, %sub3A_339 : vector<1x4096xf32>
    %add3A_343 = arith.addf %add3A_333, %mul3A_342 : vector<1x4096xf32>
    %slice3A_344 = vector.extract_strided_slice %concatenate3A {offsets = [25, 0], sizes = [1, 4096], strides = [1, 1]} : vector<32x4096xf32> to vector<1x4096xf32>
    %slice3A_345 = vector.extract_strided_slice %slice3A {offsets = [25, 0], sizes = [1, 4096], strides = [1, 1]} : vector<32x4096xf32> to vector<1x4096xf32>
    %sub3A_346 = arith.subf %slice3A_344, %slice3A_345 : vector<1x4096xf32>
    %slice3A_347 = vector.extract_strided_slice %concatenate3A {offsets = [25, 0], sizes = [1, 4096], strides = [1, 1]} : vector<32x4096xf32> to vector<1x4096xf32>
    %slice3A_348 = vector.extract_strided_slice %slice3A_89 {offsets = [25, 0], sizes = [1, 4096], strides = [1, 1]} : vector<32x4096xf32> to vector<1x4096xf32>
    %sub3A_349 = arith.subf %slice3A_347, %slice3A_348 : vector<1x4096xf32>
    %mul3A_350 = arith.mulf %sub3A_346, %sub3A_346 : vector<1x4096xf32>
    %add3A_351 = arith.addf %add3A_341, %mul3A_350 : vector<1x4096xf32>
    %mul3A_352 = arith.mulf %sub3A_349, %sub3A_349 : vector<1x4096xf32>
    %add3A_353 = arith.addf %add3A_343, %mul3A_352 : vector<1x4096xf32>
    %slice3A_354 = vector.extract_strided_slice %concatenate3A {offsets = [26, 0], sizes = [1, 4096], strides = [1, 1]} : vector<32x4096xf32> to vector<1x4096xf32>
    %slice3A_355 = vector.extract_strided_slice %slice3A {offsets = [26, 0], sizes = [1, 4096], strides = [1, 1]} : vector<32x4096xf32> to vector<1x4096xf32>
    %sub3A_356 = arith.subf %slice3A_354, %slice3A_355 : vector<1x4096xf32>
    %slice3A_357 = vector.extract_strided_slice %concatenate3A {offsets = [26, 0], sizes = [1, 4096], strides = [1, 1]} : vector<32x4096xf32> to vector<1x4096xf32>
    %slice3A_358 = vector.extract_strided_slice %slice3A_89 {offsets = [26, 0], sizes = [1, 4096], strides = [1, 1]} : vector<32x4096xf32> to vector<1x4096xf32>
    %sub3A_359 = arith.subf %slice3A_357, %slice3A_358 : vector<1x4096xf32>
    %mul3A_360 = arith.mulf %sub3A_356, %sub3A_356 : vector<1x4096xf32>
    %add3A_361 = arith.addf %add3A_351, %mul3A_360 : vector<1x4096xf32>
    %mul3A_362 = arith.mulf %sub3A_359, %sub3A_359 : vector<1x4096xf32>
    %add3A_363 = arith.addf %add3A_353, %mul3A_362 : vector<1x4096xf32>
    %slice3A_364 = vector.extract_strided_slice %concatenate3A {offsets = [27, 0], sizes = [1, 4096], strides = [1, 1]} : vector<32x4096xf32> to vector<1x4096xf32>
    %slice3A_365 = vector.extract_strided_slice %slice3A {offsets = [27, 0], sizes = [1, 4096], strides = [1, 1]} : vector<32x4096xf32> to vector<1x4096xf32>
    %sub3A_366 = arith.subf %slice3A_364, %slice3A_365 : vector<1x4096xf32>
    %slice3A_367 = vector.extract_strided_slice %concatenate3A {offsets = [27, 0], sizes = [1, 4096], strides = [1, 1]} : vector<32x4096xf32> to vector<1x4096xf32>
    %slice3A_368 = vector.extract_strided_slice %slice3A_89 {offsets = [27, 0], sizes = [1, 4096], strides = [1, 1]} : vector<32x4096xf32> to vector<1x4096xf32>
    %sub3A_369 = arith.subf %slice3A_367, %slice3A_368 : vector<1x4096xf32>
    %mul3A_370 = arith.mulf %sub3A_366, %sub3A_366 : vector<1x4096xf32>
    %add3A_371 = arith.addf %add3A_361, %mul3A_370 : vector<1x4096xf32>
    %mul3A_372 = arith.mulf %sub3A_369, %sub3A_369 : vector<1x4096xf32>
    %add3A_373 = arith.addf %add3A_363, %mul3A_372 : vector<1x4096xf32>
    %slice3A_374 = vector.extract_strided_slice %concatenate3A {offsets = [28, 0], sizes = [1, 4096], strides = [1, 1]} : vector<32x4096xf32> to vector<1x4096xf32>
    %slice3A_375 = vector.extract_strided_slice %slice3A {offsets = [28, 0], sizes = [1, 4096], strides = [1, 1]} : vector<32x4096xf32> to vector<1x4096xf32>
    %sub3A_376 = arith.subf %slice3A_374, %slice3A_375 : vector<1x4096xf32>
    %slice3A_377 = vector.extract_strided_slice %concatenate3A {offsets = [28, 0], sizes = [1, 4096], strides = [1, 1]} : vector<32x4096xf32> to vector<1x4096xf32>
    %slice3A_378 = vector.extract_strided_slice %slice3A_89 {offsets = [28, 0], sizes = [1, 4096], strides = [1, 1]} : vector<32x4096xf32> to vector<1x4096xf32>
    %sub3A_379 = arith.subf %slice3A_377, %slice3A_378 : vector<1x4096xf32>
    %mul3A_380 = arith.mulf %sub3A_376, %sub3A_376 : vector<1x4096xf32>
    %add3A_381 = arith.addf %add3A_371, %mul3A_380 : vector<1x4096xf32>
    %mul3A_382 = arith.mulf %sub3A_379, %sub3A_379 : vector<1x4096xf32>
    %add3A_383 = arith.addf %add3A_373, %mul3A_382 : vector<1x4096xf32>
    %slice3A_384 = vector.extract_strided_slice %concatenate3A {offsets = [29, 0], sizes = [1, 4096], strides = [1, 1]} : vector<32x4096xf32> to vector<1x4096xf32>
    %slice3A_385 = vector.extract_strided_slice %slice3A {offsets = [29, 0], sizes = [1, 4096], strides = [1, 1]} : vector<32x4096xf32> to vector<1x4096xf32>
    %sub3A_386 = arith.subf %slice3A_384, %slice3A_385 : vector<1x4096xf32>
    %slice3A_387 = vector.extract_strided_slice %concatenate3A {offsets = [29, 0], sizes = [1, 4096], strides = [1, 1]} : vector<32x4096xf32> to vector<1x4096xf32>
    %slice3A_388 = vector.extract_strided_slice %slice3A_89 {offsets = [29, 0], sizes = [1, 4096], strides = [1, 1]} : vector<32x4096xf32> to vector<1x4096xf32>
    %sub3A_389 = arith.subf %slice3A_387, %slice3A_388 : vector<1x4096xf32>
    %mul3A_390 = arith.mulf %sub3A_386, %sub3A_386 : vector<1x4096xf32>
    %add3A_391 = arith.addf %add3A_381, %mul3A_390 : vector<1x4096xf32>
    %mul3A_392 = arith.mulf %sub3A_389, %sub3A_389 : vector<1x4096xf32>
    %add3A_393 = arith.addf %add3A_383, %mul3A_392 : vector<1x4096xf32>
    %slice3A_394 = vector.extract_strided_slice %concatenate3A {offsets = [30, 0], sizes = [1, 4096], strides = [1, 1]} : vector<32x4096xf32> to vector<1x4096xf32>
    %slice3A_395 = vector.extract_strided_slice %slice3A {offsets = [30, 0], sizes = [1, 4096], strides = [1, 1]} : vector<32x4096xf32> to vector<1x4096xf32>
    %sub3A_396 = arith.subf %slice3A_394, %slice3A_395 : vector<1x4096xf32>
    %slice3A_397 = vector.extract_strided_slice %concatenate3A {offsets = [30, 0], sizes = [1, 4096], strides = [1, 1]} : vector<32x4096xf32> to vector<1x4096xf32>
    %slice3A_398 = vector.extract_strided_slice %slice3A_89 {offsets = [30, 0], sizes = [1, 4096], strides = [1, 1]} : vector<32x4096xf32> to vector<1x4096xf32>
    %sub3A_399 = arith.subf %slice3A_397, %slice3A_398 : vector<1x4096xf32>
    %mul3A_400 = arith.mulf %sub3A_396, %sub3A_396 : vector<1x4096xf32>
    %add3A_401 = arith.addf %add3A_391, %mul3A_400 : vector<1x4096xf32>
    %mul3A_402 = arith.mulf %sub3A_399, %sub3A_399 : vector<1x4096xf32>
    %add3A_403 = arith.addf %add3A_393, %mul3A_402 : vector<1x4096xf32>
    %slice3A_404 = vector.extract_strided_slice %concatenate3A {offsets = [31, 0], sizes = [1, 4096], strides = [1, 1]} : vector<32x4096xf32> to vector<1x4096xf32>
    %slice3A_405 = vector.extract_strided_slice %slice3A {offsets = [31, 0], sizes = [1, 4096], strides = [1, 1]} : vector<32x4096xf32> to vector<1x4096xf32>
    %sub3A_406 = arith.subf %slice3A_404, %slice3A_405 : vector<1x4096xf32>
    %slice3A_407 = vector.extract_strided_slice %concatenate3A {offsets = [31, 0], sizes = [1, 4096], strides = [1, 1]} : vector<32x4096xf32> to vector<1x4096xf32>
    %slice3A_408 = vector.extract_strided_slice %slice3A_89 {offsets = [31, 0], sizes = [1, 4096], strides = [1, 1]} : vector<32x4096xf32> to vector<1x4096xf32>
    %sub3A_409 = arith.subf %slice3A_407, %slice3A_408 : vector<1x4096xf32>
    %mul3A_410 = arith.mulf %sub3A_406, %sub3A_406 : vector<1x4096xf32>
    %add3A_411 = arith.addf %add3A_401, %mul3A_410 : vector<1x4096xf32>
    %mul3A_412 = arith.mulf %sub3A_409, %sub3A_409 : vector<1x4096xf32>
    %add3A_413 = arith.addf %add3A_403, %mul3A_412 : vector<1x4096xf32>
    %lt3A = arith.cmpf olt, %add3A_413, %add3A_411 : vector<1x4096xf32>
    %eq3A_414 = arith.cmpf oeq, %add3A_413, %add3A_411 : vector<1x4096xf32>
    %broadcast_in_dim3A_415 = vector.shape_cast %argmin3A_74 : vector<4096xi32> to vector<1x4096xi32>
    %broadcast_in_dim3A_416 = vector.shape_cast %argmin3A : vector<4096xi32> to vector<1x4096xi32>
    %lt3A_417 = arith.cmpi slt, %broadcast_in_dim3A_415, %broadcast_in_dim3A_416 : vector<1x4096xi32>
    %and3A_418 = arith.andi %eq3A_414, %lt3A_417 : vector<1x4096xi1>
    %or3A = arith.ori %lt3A, %and3A_418 : vector<1x4096xi1>
    %squeeze3A = vector.shape_cast %or3A : vector<1x4096xi1> to vector<4096xi1>
    %select_n3A_419 = arith.select %squeeze3A, %argmin3A_74, %argmin3A : vector<4096xi1>, vector<4096xi32>
    %broadcast_in_dim3A_420 = vector.shape_cast %select_n3A_419 : vector<4096xi32> to vector<1x4096xi32>
    %swap3A = arith.constant 0 : index
    %swap3A_421 = arith.constant 0 : index
    %swap3A_422 = vector.load %arg3[%swap3A, %swap3A_421] : memref<1x4096xi32, #tpu.memory_space<vmem>>, vector<1x4096xi32>
    tpu.vector_store %arg3[%swap3A, %swap3A_421], %broadcast_in_dim3A_420 {strides = array<i32>} : memref<1x4096xi32, #tpu.memory_space<vmem>>, vector<1x4096xi32>,
    %transpose3A = tpu.transpose %get3A_1, [1, 0] : vector<32x512xf32> -> vector<512x32xf32>
    %jit3A_423 = arith.constant 0 : i32
    %convert_element_type3A_424 = arith.sitofp %jit3A_423 : i32 to f32
    %pad3A = vector.broadcast %convert_element_type3A_424 : f32 to vector<512x96xf32>
    %pad3A_425 = tpu.concatenate %transpose3A, %pad3A in 1 : vector<512x32xf32>, vector<512x96xf32> -> vector<512x128xf32>
    %swap3A_426 = arith.constant 0 : index
    %swap3A_427 = arith.constant 0 : index
    %swap3A_428 = vector.load %arg4[%swap3A_426, %swap3A_427] : memref<512x128xf32, #tpu.memory_space<vmem>>, vector<512x128xf32>
    tpu.vector_store %arg4[%swap3A_426, %swap3A_427], %pad3A_425 {strides = array<i32>} : memref<512x128xf32, #tpu.memory_space<vmem>>, vector<512x128xf32>,
    %broadcast_in_dim3A_429 = vector.shape_cast %select_n3A_419 : vector<4096xi32> to vector<1x4096xi32>
    %slice3A_430 = vector.extract_strided_slice %broadcast_in_dim3A_429 {offsets = [0, 0], sizes = [1, 32], strides = [1, 1]} : vector<1x4096xi32> to vector<1x32xi32>
    %squeeze3A_431 = vector.shape_cast %slice3A_430 : vector<1x32xi32> to vector<32xi32>
    %swap3A_432 = arith.constant 0 : index
    %swap3A_433 = arith.constant 0 : index
    %swap3A_434 = arith.constant 0 : index
    %swap3A_435 = vector.load %arg2[%swap3A_432, %swap3A_433, %swap3A_434] : memref<4x32x32xi32, #tpu.memory_space<vmem>>, vector<1x1x32xi32>
    %swap3A_436 = vector.shape_cast %swap3A_435 : vector<1x1x32xi32> to vector<32xi32>
    %swap3A_437 = vector.shape_cast %squeeze3A_431 : vector<32xi32> to vector<1x1x32xi32>
    tpu.vector_store %arg2[%swap3A_432, %swap3A_433, %swap3A_434], %swap3A_437 {strides = array<i32>} : memref<4x32x32xi32, #tpu.memory_space<vmem>>, vector<1x1x32xi32>,
    %slice3A_438 = vector.extract_strided_slice %broadcast_in_dim3A_429 {offsets = [0, 32], sizes = [1, 32], strides = [1, 1]} : vector<1x4096xi32> to vector<1x32xi32>
    %squeeze3A_439 = vector.shape_cast %slice3A_438 : vector<1x32xi32> to vector<32xi32>
    %swap3A_440 = arith.constant 0 : index
    %swap3A_441 = arith.constant 1 : index
    %swap3A_442 = arith.constant 0 : index
    %swap3A_443 = vector.load %arg2[%swap3A_440, %swap3A_441, %swap3A_442] : memref<4x32x32xi32, #tpu.memory_space<vmem>>, vector<1x1x32xi32>
    %swap3A_444 = vector.shape_cast %swap3A_443 : vector<1x1x32xi32> to vector<32xi32>
    %swap3A_445 = vector.shape_cast %squeeze3A_439 : vector<32xi32> to vector<1x1x32xi32>
    tpu.vector_store %arg2[%swap3A_440, %swap3A_441, %swap3A_442], %swap3A_445 {strides = array<i32>} : memref<4x32x32xi32, #tpu.memory_space<vmem>>, vector<1x1x32xi32>,
    %slice3A_446 = vector.extract_strided_slice %broadcast_in_dim3A_429 {offsets = [0, 64], sizes = [1, 32], strides = [1, 1]} : vector<1x4096xi32> to vector<1x32xi32>
    %squeeze3A_447 = vector.shape_cast %slice3A_446 : vector<1x32xi32> to vector<32xi32>
    %swap3A_448 = arith.constant 0 : index
    %swap3A_449 = arith.constant 2 : index
    %swap3A_450 = arith.constant 0 : index
    %swap3A_451 = vector.load %arg2[%swap3A_448, %swap3A_449, %swap3A_450] : memref<4x32x32xi32, #tpu.memory_space<vmem>>, vector<1x1x32xi32>
    %swap3A_452 = vector.shape_cast %swap3A_451 : vector<1x1x32xi32> to vector<32xi32>
    %swap3A_453 = vector.shape_cast %squeeze3A_447 : vector<32xi32> to vector<1x1x32xi32>
    tpu.vector_store %arg2[%swap3A_448, %swap3A_449, %swap3A_450], %swap3A_453 {strides = array<i32>} : memref<4x32x32xi32, #tpu.memory_space<vmem>>, vector<1x1x32xi32>,
    %slice3A_454 = vector.extract_strided_slice %broadcast_in_dim3A_429 {offsets = [0, 96], sizes = [1, 32], strides = [1, 1]} : vector<1x4096xi32> to vector<1x32xi32>
    %squeeze3A_455 = vector.shape_cast %slice3A_454 : vector<1x32xi32> to vector<32xi32>
    %swap3A_456 = arith.constant 0 : index
    %swap3A_457 = arith.constant 3 : index
    %swap3A_458 = arith.constant 0 : index
    %swap3A_459 = vector.load %arg2[%swap3A_456, %swap3A_457, %swap3A_458] : memref<4x32x32xi32, #tpu.memory_space<vmem>>, vector<1x1x32xi32>
    %swap3A_460 = vector.shape_cast %swap3A_459 : vector<1x1x32xi32> to vector<32xi32>
    %swap3A_461 = vector.shape_cast %squeeze3A_455 : vector<32xi32> to vector<1x1x32xi32>
    tpu.vector_store %arg2[%swap3A_456, %swap3A_457, %swap3A_458], %swap3A_461 {strides = array<i32>} : memref<4x32x32xi32, #tpu.memory_space<vmem>>, vector<1x1x32xi32>,
    %slice3A_462 = vector.extract_strided_slice %broadcast_in_dim3A_429 {offsets = [0, 128], sizes = [1, 32], strides = [1, 1]} : vector<1x4096xi32> to vector<1x32xi32>
    %squeeze3A_463 = vector.shape_cast %slice3A_462 : vector<1x32xi32> to vector<32xi32>
    %swap3A_464 = arith.constant 0 : index
    %swap3A_465 = arith.constant 4 : index
    %swap3A_466 = arith.constant 0 : index
    %swap3A_467 = vector.load %arg2[%swap3A_464, %swap3A_465, %swap3A_466] : memref<4x32x32xi32, #tpu.memory_space<vmem>>, vector<1x1x32xi32>
    %swap3A_468 = vector.shape_cast %swap3A_467 : vector<1x1x32xi32> to vector<32xi32>
    %swap3A_469 = vector.shape_cast %squeeze3A_463 : vector<32xi32> to vector<1x1x32xi32>
    tpu.vector_store %arg2[%swap3A_464, %swap3A_465, %swap3A_466], %swap3A_469 {strides = array<i32>} : memref<4x32x32xi32, #tpu.memory_space<vmem>>, vector<1x1x32xi32>,
    %slice3A_470 = vector.extract_strided_slice %broadcast_in_dim3A_429 {offsets = [0, 160], sizes = [1, 32], strides = [1, 1]} : vector<1x4096xi32> to vector<1x32xi32>
    %squeeze3A_471 = vector.shape_cast %slice3A_470 : vector<1x32xi32> to vector<32xi32>
    %swap3A_472 = arith.constant 0 : index
    %swap3A_473 = arith.constant 5 : index
    %swap3A_474 = arith.constant 0 : index
    %swap3A_475 = vector.load %arg2[%swap3A_472, %swap3A_473, %swap3A_474] : memref<4x32x32xi32, #tpu.memory_space<vmem>>, vector<1x1x32xi32>
    %swap3A_476 = vector.shape_cast %swap3A_475 : vector<1x1x32xi32> to vector<32xi32>
    %swap3A_477 = vector.shape_cast %squeeze3A_471 : vector<32xi32> to vector<1x1x32xi32>
    tpu.vector_store %arg2[%swap3A_472, %swap3A_473, %swap3A_474], %swap3A_477 {strides = array<i32>} : memref<4x32x32xi32, #tpu.memory_space<vmem>>, vector<1x1x32xi32>,
    %slice3A_478 = vector.extract_strided_slice %broadcast_in_dim3A_429 {offsets = [0, 192], sizes = [1, 32], strides = [1, 1]} : vector<1x4096xi32> to vector<1x32xi32>
    %squeeze3A_479 = vector.shape_cast %slice3A_478 : vector<1x32xi32> to vector<32xi32>
    %swap3A_480 = arith.constant 0 : index
    %swap3A_481 = arith.constant 6 : index
    %swap3A_482 = arith.constant 0 : index
    %swap3A_483 = vector.load %arg2[%swap3A_480, %swap3A_481, %swap3A_482] : memref<4x32x32xi32, #tpu.memory_space<vmem>>, vector<1x1x32xi32>
    %swap3A_484 = vector.shape_cast %swap3A_483 : vector<1x1x32xi32> to vector<32xi32>
    %swap3A_485 = vector.shape_cast %squeeze3A_479 : vector<32xi32> to vector<1x1x32xi32>
    tpu.vector_store %arg2[%swap3A_480, %swap3A_481, %swap3A_482], %swap3A_485 {strides = array<i32>} : memref<4x32x32xi32, #tpu.memory_space<vmem>>, vector<1x1x32xi32>,
    %slice3A_486 = vector.extract_strided_slice %broadcast_in_dim3A_429 {offsets = [0, 224], sizes = [1, 32], strides = [1, 1]} : vector<1x4096xi32> to vector<1x32xi32>
    %squeeze3A_487 = vector.shape_cast %slice3A_486 : vector<1x32xi32> to vector<32xi32>
    %swap3A_488 = arith.constant 0 : index
    %swap3A_489 = arith.constant 7 : index
    %swap3A_490 = arith.constant 0 : index
    %swap3A_491 = vector.load %arg2[%swap3A_488, %swap3A_489, %swap3A_490] : memref<4x32x32xi32, #tpu.memory_space<vmem>>, vector<1x1x32xi32>
    %swap3A_492 = vector.shape_cast %swap3A_491 : vector<1x1x32xi32> to vector<32xi32>
    %swap3A_493 = vector.shape_cast %squeeze3A_487 : vector<32xi32> to vector<1x1x32xi32>
    tpu.vector_store %arg2[%swap3A_488, %swap3A_489, %swap3A_490], %swap3A_493 {strides = array<i32>} : memref<4x32x32xi32, #tpu.memory_space<vmem>>, vector<1x1x32xi32>,
    %slice3A_494 = vector.extract_strided_slice %broadcast_in_dim3A_429 {offsets = [0, 256], sizes = [1, 32], strides = [1, 1]} : vector<1x4096xi32> to vector<1x32xi32>
    %squeeze3A_495 = vector.shape_cast %slice3A_494 : vector<1x32xi32> to vector<32xi32>
    %swap3A_496 = arith.constant 0 : index
    %swap3A_497 = arith.constant 8 : index
    %swap3A_498 = arith.constant 0 : index
    %swap3A_499 = vector.load %arg2[%swap3A_496, %swap3A_497, %swap3A_498] : memref<4x32x32xi32, #tpu.memory_space<vmem>>, vector<1x1x32xi32>
    %swap3A_500 = vector.shape_cast %swap3A_499 : vector<1x1x32xi32> to vector<32xi32>
    %swap3A_501 = vector.shape_cast %squeeze3A_495 : vector<32xi32> to vector<1x1x32xi32>
    tpu.vector_store %arg2[%swap3A_496, %swap3A_497, %swap3A_498], %swap3A_501 {strides = array<i32>} : memref<4x32x32xi32, #tpu.memory_space<vmem>>, vector<1x1x32xi32>,
    %slice3A_502 = vector.extract_strided_slice %broadcast_in_dim3A_429 {offsets = [0, 288], sizes = [1, 32], strides = [1, 1]} : vector<1x4096xi32> to vector<1x32xi32>
    %squeeze3A_503 = vector.shape_cast %slice3A_502 : vector<1x32xi32> to vector<32xi32>
    %swap3A_504 = arith.constant 0 : index
    %swap3A_505 = arith.constant 9 : index
    %swap3A_506 = arith.constant 0 : index
    %swap3A_507 = vector.load %arg2[%swap3A_504, %swap3A_505, %swap3A_506] : memref<4x32x32xi32, #tpu.memory_space<vmem>>, vector<1x1x32xi32>
    %swap3A_508 = vector.shape_cast %swap3A_507 : vector<1x1x32xi32> to vector<32xi32>
    %swap3A_509 = vector.shape_cast %squeeze3A_503 : vector<32xi32> to vector<1x1x32xi32>
    tpu.vector_store %arg2[%swap3A_504, %swap3A_505, %swap3A_506], %swap3A_509 {strides = array<i32>} : memref<4x32x32xi32, #tpu.memory_space<vmem>>, vector<1x1x32xi32>,
    %slice3A_510 = vector.extract_strided_slice %broadcast_in_dim3A_429 {offsets = [0, 320], sizes = [1, 32], strides = [1, 1]} : vector<1x4096xi32> to vector<1x32xi32>
    %squeeze3A_511 = vector.shape_cast %slice3A_510 : vector<1x32xi32> to vector<32xi32>
    %swap3A_512 = arith.constant 0 : index
    %swap3A_513 = arith.constant 10 : index
    %swap3A_514 = arith.constant 0 : index
    %swap3A_515 = vector.load %arg2[%swap3A_512, %swap3A_513, %swap3A_514] : memref<4x32x32xi32, #tpu.memory_space<vmem>>, vector<1x1x32xi32>
    %swap3A_516 = vector.shape_cast %swap3A_515 : vector<1x1x32xi32> to vector<32xi32>
    %swap3A_517 = vector.shape_cast %squeeze3A_511 : vector<32xi32> to vector<1x1x32xi32>
    tpu.vector_store %arg2[%swap3A_512, %swap3A_513, %swap3A_514], %swap3A_517 {strides = array<i32>} : memref<4x32x32xi32, #tpu.memory_space<vmem>>, vector<1x1x32xi32>,
    %slice3A_518 = vector.extract_strided_slice %broadcast_in_dim3A_429 {offsets = [0, 352], sizes = [1, 32], strides = [1, 1]} : vector<1x4096xi32> to vector<1x32xi32>
    %squeeze3A_519 = vector.shape_cast %slice3A_518 : vector<1x32xi32> to vector<32xi32>
    %swap3A_520 = arith.constant 0 : index
    %swap3A_521 = arith.constant 11 : index
    %swap3A_522 = arith.constant 0 : index
    %swap3A_523 = vector.load %arg2[%swap3A_520, %swap3A_521, %swap3A_522] : memref<4x32x32xi32, #tpu.memory_space<vmem>>, vector<1x1x32xi32>
    %swap3A_524 = vector.shape_cast %swap3A_523 : vector<1x1x32xi32> to vector<32xi32>
    %swap3A_525 = vector.shape_cast %squeeze3A_519 : vector<32xi32> to vector<1x1x32xi32>
    tpu.vector_store %arg2[%swap3A_520, %swap3A_521, %swap3A_522], %swap3A_525 {strides = array<i32>} : memref<4x32x32xi32, #tpu.memory_space<vmem>>, vector<1x1x32xi32>,
    %slice3A_526 = vector.extract_strided_slice %broadcast_in_dim3A_429 {offsets = [0, 384], sizes = [1, 32], strides = [1, 1]} : vector<1x4096xi32> to vector<1x32xi32>
    %squeeze3A_527 = vector.shape_cast %slice3A_526 : vector<1x32xi32> to vector<32xi32>
    %swap3A_528 = arith.constant 0 : index
    %swap3A_529 = arith.constant 12 : index
    %swap3A_530 = arith.constant 0 : index
    %swap3A_531 = vector.load %arg2[%swap3A_528, %swap3A_529, %swap3A_530] : memref<4x32x32xi32, #tpu.memory_space<vmem>>, vector<1x1x32xi32>
    %swap3A_532 = vector.shape_cast %swap3A_531 : vector<1x1x32xi32> to vector<32xi32>
    %swap3A_533 = vector.shape_cast %squeeze3A_527 : vector<32xi32> to vector<1x1x32xi32>
    tpu.vector_store %arg2[%swap3A_528, %swap3A_529, %swap3A_530], %swap3A_533 {strides = array<i32>} : memref<4x32x32xi32, #tpu.memory_space<vmem>>, vector<1x1x32xi32>,
    %slice3A_534 = vector.extract_strided_slice %broadcast_in_dim3A_429 {offsets = [0, 416], sizes = [1, 32], strides = [1, 1]} : vector<1x4096xi32> to vector<1x32xi32>
    %squeeze3A_535 = vector.shape_cast %slice3A_534 : vector<1x32xi32> to vector<32xi32>
    %swap3A_536 = arith.constant 0 : index
    %swap3A_537 = arith.constant 13 : index
    %swap3A_538 = arith.constant 0 : index
    %swap3A_539 = vector.load %arg2[%swap3A_536, %swap3A_537, %swap3A_538] : memref<4x32x32xi32, #tpu.memory_space<vmem>>, vector<1x1x32xi32>
    %swap3A_540 = vector.shape_cast %swap3A_539 : vector<1x1x32xi32> to vector<32xi32>
    %swap3A_541 = vector.shape_cast %squeeze3A_535 : vector<32xi32> to vector<1x1x32xi32>
    tpu.vector_store %arg2[%swap3A_536, %swap3A_537, %swap3A_538], %swap3A_541 {strides = array<i32>} : memref<4x32x32xi32, #tpu.memory_space<vmem>>, vector<1x1x32xi32>,
    %slice3A_542 = vector.extract_strided_slice %broadcast_in_dim3A_429 {offsets = [0, 448], sizes = [1, 32], strides = [1, 1]} : vector<1x4096xi32> to vector<1x32xi32>
    %squeeze3A_543 = vector.shape_cast %slice3A_542 : vector<1x32xi32> to vector<32xi32>
    %swap3A_544 = arith.constant 0 : index
    %swap3A_545 = arith.constant 14 : index
    %swap3A_546 = arith.constant 0 : index
    %swap3A_547 = vector.load %arg2[%swap3A_544, %swap3A_545, %swap3A_546] : memref<4x32x32xi32, #tpu.memory_space<vmem>>, vector<1x1x32xi32>
    %swap3A_548 = vector.shape_cast %swap3A_547 : vector<1x1x32xi32> to vector<32xi32>
    %swap3A_549 = vector.shape_cast %squeeze3A_543 : vector<32xi32> to vector<1x1x32xi32>
    tpu.vector_store %arg2[%swap3A_544, %swap3A_545, %swap3A_546], %swap3A_549 {strides = array<i32>} : memref<4x32x32xi32, #tpu.memory_space<vmem>>, vector<1x1x32xi32>,
    %slice3A_550 = vector.extract_strided_slice %broadcast_in_dim3A_429 {offsets = [0, 480], sizes = [1, 32], strides = [1, 1]} : vector<1x4096xi32> to vector<1x32xi32>
    %squeeze3A_551 = vector.shape_cast %slice3A_550 : vector<1x32xi32> to vector<32xi32>
    %swap3A_552 = arith.constant 0 : index
    %swap3A_553 = arith.constant 15 : index
    %swap3A_554 = arith.constant 0 : index
    %swap3A_555 = vector.load %arg2[%swap3A_552, %swap3A_553, %swap3A_554] : memref<4x32x32xi32, #tpu.memory_space<vmem>>, vector<1x1x32xi32>
    %swap3A_556 = vector.shape_cast %swap3A_555 : vector<1x1x32xi32> to vector<32xi32>
    %swap3A_557 = vector.shape_cast %squeeze3A_551 : vector<32xi32> to vector<1x1x32xi32>
    tpu.vector_store %arg2[%swap3A_552, %swap3A_553, %swap3A_554], %swap3A_557 {strides = array<i32>} : memref<4x32x32xi32, #tpu.memory_space<vmem>>, vector<1x1x32xi32>,
    %slice3A_558 = vector.extract_strided_slice %broadcast_in_dim3A_429 {offsets = [0, 512], sizes = [1, 32], strides = [1, 1]} : vector<1x4096xi32> to vector<1x32xi32>
    %squeeze3A_559 = vector.shape_cast %slice3A_558 : vector<1x32xi32> to vector<32xi32>
    %swap3A_560 = arith.constant 0 : index
    %swap3A_561 = arith.constant 16 : index
    %swap3A_562 = arith.constant 0 : index
    %swap3A_563 = vector.load %arg2[%swap3A_560, %swap3A_561, %swap3A_562] : memref<4x32x32xi32, #tpu.memory_space<vmem>>, vector<1x1x32xi32>
    %swap3A_564 = vector.shape_cast %swap3A_563 : vector<1x1x32xi32> to vector<32xi32>
    %swap3A_565 = vector.shape_cast %squeeze3A_559 : vector<32xi32> to vector<1x1x32xi32>
    tpu.vector_store %arg2[%swap3A_560, %swap3A_561, %swap3A_562], %swap3A_565 {strides = array<i32>} : memref<4x32x32xi32, #tpu.memory_space<vmem>>, vector<1x1x32xi32>,
    %slice3A_566 = vector.extract_strided_slice %broadcast_in_dim3A_429 {offsets = [0, 544], sizes = [1, 32], strides = [1, 1]} : vector<1x4096xi32> to vector<1x32xi32>
    %squeeze3A_567 = vector.shape_cast %slice3A_566 : vector<1x32xi32> to vector<32xi32>
    %swap3A_568 = arith.constant 0 : index
    %swap3A_569 = arith.constant 17 : index
    %swap3A_570 = arith.constant 0 : index
    %swap3A_571 = vector.load %arg2[%swap3A_568, %swap3A_569, %swap3A_570] : memref<4x32x32xi32, #tpu.memory_space<vmem>>, vector<1x1x32xi32>
    %swap3A_572 = vector.shape_cast %swap3A_571 : vector<1x1x32xi32> to vector<32xi32>
    %swap3A_573 = vector.shape_cast %squeeze3A_567 : vector<32xi32> to vector<1x1x32xi32>
    tpu.vector_store %arg2[%swap3A_568, %swap3A_569, %swap3A_570], %swap3A_573 {strides = array<i32>} : memref<4x32x32xi32, #tpu.memory_space<vmem>>, vector<1x1x32xi32>,
    %slice3A_574 = vector.extract_strided_slice %broadcast_in_dim3A_429 {offsets = [0, 576], sizes = [1, 32], strides = [1, 1]} : vector<1x4096xi32> to vector<1x32xi32>
    %squeeze3A_575 = vector.shape_cast %slice3A_574 : vector<1x32xi32> to vector<32xi32>
    %swap3A_576 = arith.constant 0 : index
    %swap3A_577 = arith.constant 18 : index
    %swap3A_578 = arith.constant 0 : index
    %swap3A_579 = vector.load %arg2[%swap3A_576, %swap3A_577, %swap3A_578] : memref<4x32x32xi32, #tpu.memory_space<vmem>>, vector<1x1x32xi32>
    %swap3A_580 = vector.shape_cast %swap3A_579 : vector<1x1x32xi32> to vector<32xi32>
    %swap3A_581 = vector.shape_cast %squeeze3A_575 : vector<32xi32> to vector<1x1x32xi32>
    tpu.vector_store %arg2[%swap3A_576, %swap3A_577, %swap3A_578], %swap3A_581 {strides = array<i32>} : memref<4x32x32xi32, #tpu.memory_space<vmem>>, vector<1x1x32xi32>,
    %slice3A_582 = vector.extract_strided_slice %broadcast_in_dim3A_429 {offsets = [0, 608], sizes = [1, 32], strides = [1, 1]} : vector<1x4096xi32> to vector<1x32xi32>
    %squeeze3A_583 = vector.shape_cast %slice3A_582 : vector<1x32xi32> to vector<32xi32>
    %swap3A_584 = arith.constant 0 : index
    %swap3A_585 = arith.constant 19 : index
    %swap3A_586 = arith.constant 0 : index
    %swap3A_587 = vector.load %arg2[%swap3A_584, %swap3A_585, %swap3A_586] : memref<4x32x32xi32, #tpu.memory_space<vmem>>, vector<1x1x32xi32>
    %swap3A_588 = vector.shape_cast %swap3A_587 : vector<1x1x32xi32> to vector<32xi32>
    %swap3A_589 = vector.shape_cast %squeeze3A_583 : vector<32xi32> to vector<1x1x32xi32>
    tpu.vector_store %arg2[%swap3A_584, %swap3A_585, %swap3A_586], %swap3A_589 {strides = array<i32>} : memref<4x32x32xi32, #tpu.memory_space<vmem>>, vector<1x1x32xi32>,
    %slice3A_590 = vector.extract_strided_slice %broadcast_in_dim3A_429 {offsets = [0, 640], sizes = [1, 32], strides = [1, 1]} : vector<1x4096xi32> to vector<1x32xi32>
    %squeeze3A_591 = vector.shape_cast %slice3A_590 : vector<1x32xi32> to vector<32xi32>
    %swap3A_592 = arith.constant 0 : index
    %swap3A_593 = arith.constant 20 : index
    %swap3A_594 = arith.constant 0 : index
    %swap3A_595 = vector.load %arg2[%swap3A_592, %swap3A_593, %swap3A_594] : memref<4x32x32xi32, #tpu.memory_space<vmem>>, vector<1x1x32xi32>
    %swap3A_596 = vector.shape_cast %swap3A_595 : vector<1x1x32xi32> to vector<32xi32>
    %swap3A_597 = vector.shape_cast %squeeze3A_591 : vector<32xi32> to vector<1x1x32xi32>
    tpu.vector_store %arg2[%swap3A_592, %swap3A_593, %swap3A_594], %swap3A_597 {strides = array<i32>} : memref<4x32x32xi32, #tpu.memory_space<vmem>>, vector<1x1x32xi32>,
    %slice3A_598 = vector.extract_strided_slice %broadcast_in_dim3A_429 {offsets = [0, 672], sizes = [1, 32], strides = [1, 1]} : vector<1x4096xi32> to vector<1x32xi32>
    %squeeze3A_599 = vector.shape_cast %slice3A_598 : vector<1x32xi32> to vector<32xi32>
    %swap3A_600 = arith.constant 0 : index
    %swap3A_601 = arith.constant 21 : index
    %swap3A_602 = arith.constant 0 : index
    %swap3A_603 = vector.load %arg2[%swap3A_600, %swap3A_601, %swap3A_602] : memref<4x32x32xi32, #tpu.memory_space<vmem>>, vector<1x1x32xi32>
    %swap3A_604 = vector.shape_cast %swap3A_603 : vector<1x1x32xi32> to vector<32xi32>
    %swap3A_605 = vector.shape_cast %squeeze3A_599 : vector<32xi32> to vector<1x1x32xi32>
    tpu.vector_store %arg2[%swap3A_600, %swap3A_601, %swap3A_602], %swap3A_605 {strides = array<i32>} : memref<4x32x32xi32, #tpu.memory_space<vmem>>, vector<1x1x32xi32>,
    %slice3A_606 = vector.extract_strided_slice %broadcast_in_dim3A_429 {offsets = [0, 704], sizes = [1, 32], strides = [1, 1]} : vector<1x4096xi32> to vector<1x32xi32>
    %squeeze3A_607 = vector.shape_cast %slice3A_606 : vector<1x32xi32> to vector<32xi32>
    %swap3A_608 = arith.constant 0 : index
    %swap3A_609 = arith.constant 22 : index
    %swap3A_610 = arith.constant 0 : index
    %swap3A_611 = vector.load %arg2[%swap3A_608, %swap3A_609, %swap3A_610] : memref<4x32x32xi32, #tpu.memory_space<vmem>>, vector<1x1x32xi32>
    %swap3A_612 = vector.shape_cast %swap3A_611 : vector<1x1x32xi32> to vector<32xi32>
    %swap3A_613 = vector.shape_cast %squeeze3A_607 : vector<32xi32> to vector<1x1x32xi32>
    tpu.vector_store %arg2[%swap3A_608, %swap3A_609, %swap3A_610], %swap3A_613 {strides = array<i32>} : memref<4x32x32xi32, #tpu.memory_space<vmem>>, vector<1x1x32xi32>,
    %slice3A_614 = vector.extract_strided_slice %broadcast_in_dim3A_429 {offsets = [0, 736], sizes = [1, 32], strides = [1, 1]} : vector<1x4096xi32> to vector<1x32xi32>
    %squeeze3A_615 = vector.shape_cast %slice3A_614 : vector<1x32xi32> to vector<32xi32>
    %swap3A_616 = arith.constant 0 : index
    %swap3A_617 = arith.constant 23 : index
    %swap3A_618 = arith.constant 0 : index
    %swap3A_619 = vector.load %arg2[%swap3A_616, %swap3A_617, %swap3A_618] : memref<4x32x32xi32, #tpu.memory_space<vmem>>, vector<1x1x32xi32>
    %swap3A_620 = vector.shape_cast %swap3A_619 : vector<1x1x32xi32> to vector<32xi32>
    %swap3A_621 = vector.shape_cast %squeeze3A_615 : vector<32xi32> to vector<1x1x32xi32>
    tpu.vector_store %arg2[%swap3A_616, %swap3A_617, %swap3A_618], %swap3A_621 {strides = array<i32>} : memref<4x32x32xi32, #tpu.memory_space<vmem>>, vector<1x1x32xi32>,
    %slice3A_622 = vector.extract_strided_slice %broadcast_in_dim3A_429 {offsets = [0, 768], sizes = [1, 32], strides = [1, 1]} : vector<1x4096xi32> to vector<1x32xi32>
    %squeeze3A_623 = vector.shape_cast %slice3A_622 : vector<1x32xi32> to vector<32xi32>
    %swap3A_624 = arith.constant 0 : index
    %swap3A_625 = arith.constant 24 : index
    %swap3A_626 = arith.constant 0 : index
    %swap3A_627 = vector.load %arg2[%swap3A_624, %swap3A_625, %swap3A_626] : memref<4x32x32xi32, #tpu.memory_space<vmem>>, vector<1x1x32xi32>
    %swap3A_628 = vector.shape_cast %swap3A_627 : vector<1x1x32xi32> to vector<32xi32>
    %swap3A_629 = vector.shape_cast %squeeze3A_623 : vector<32xi32> to vector<1x1x32xi32>
    tpu.vector_store %arg2[%swap3A_624, %swap3A_625, %swap3A_626], %swap3A_629 {strides = array<i32>} : memref<4x32x32xi32, #tpu.memory_space<vmem>>, vector<1x1x32xi32>,
    %slice3A_630 = vector.extract_strided_slice %broadcast_in_dim3A_429 {offsets = [0, 800], sizes = [1, 32], strides = [1, 1]} : vector<1x4096xi32> to vector<1x32xi32>
    %squeeze3A_631 = vector.shape_cast %slice3A_630 : vector<1x32xi32> to vector<32xi32>
    %swap3A_632 = arith.constant 0 : index
    %swap3A_633 = arith.constant 25 : index
    %swap3A_634 = arith.constant 0 : index
    %swap3A_635 = vector.load %arg2[%swap3A_632, %swap3A_633, %swap3A_634] : memref<4x32x32xi32, #tpu.memory_space<vmem>>, vector<1x1x32xi32>
    %swap3A_636 = vector.shape_cast %swap3A_635 : vector<1x1x32xi32> to vector<32xi32>
    %swap3A_637 = vector.shape_cast %squeeze3A_631 : vector<32xi32> to vector<1x1x32xi32>
    tpu.vector_store %arg2[%swap3A_632, %swap3A_633, %swap3A_634], %swap3A_637 {strides = array<i32>} : memref<4x32x32xi32, #tpu.memory_space<vmem>>, vector<1x1x32xi32>,
    %slice3A_638 = vector.extract_strided_slice %broadcast_in_dim3A_429 {offsets = [0, 832], sizes = [1, 32], strides = [1, 1]} : vector<1x4096xi32> to vector<1x32xi32>
    %squeeze3A_639 = vector.shape_cast %slice3A_638 : vector<1x32xi32> to vector<32xi32>
    %swap3A_640 = arith.constant 0 : index
    %swap3A_641 = arith.constant 26 : index
    %swap3A_642 = arith.constant 0 : index
    %swap3A_643 = vector.load %arg2[%swap3A_640, %swap3A_641, %swap3A_642] : memref<4x32x32xi32, #tpu.memory_space<vmem>>, vector<1x1x32xi32>
    %swap3A_644 = vector.shape_cast %swap3A_643 : vector<1x1x32xi32> to vector<32xi32>
    %swap3A_645 = vector.shape_cast %squeeze3A_639 : vector<32xi32> to vector<1x1x32xi32>
    tpu.vector_store %arg2[%swap3A_640, %swap3A_641, %swap3A_642], %swap3A_645 {strides = array<i32>} : memref<4x32x32xi32, #tpu.memory_space<vmem>>, vector<1x1x32xi32>,
    %slice3A_646 = vector.extract_strided_slice %broadcast_in_dim3A_429 {offsets = [0, 864], sizes = [1, 32], strides = [1, 1]} : vector<1x4096xi32> to vector<1x32xi32>
    %squeeze3A_647 = vector.shape_cast %slice3A_646 : vector<1x32xi32> to vector<32xi32>
    %swap3A_648 = arith.constant 0 : index
    %swap3A_649 = arith.constant 27 : index
    %swap3A_650 = arith.constant 0 : index
    %swap3A_651 = vector.load %arg2[%swap3A_648, %swap3A_649, %swap3A_650] : memref<4x32x32xi32, #tpu.memory_space<vmem>>, vector<1x1x32xi32>
    %swap3A_652 = vector.shape_cast %swap3A_651 : vector<1x1x32xi32> to vector<32xi32>
    %swap3A_653 = vector.shape_cast %squeeze3A_647 : vector<32xi32> to vector<1x1x32xi32>
    tpu.vector_store %arg2[%swap3A_648, %swap3A_649, %swap3A_650], %swap3A_653 {strides = array<i32>} : memref<4x32x32xi32, #tpu.memory_space<vmem>>, vector<1x1x32xi32>,
    %slice3A_654 = vector.extract_strided_slice %broadcast_in_dim3A_429 {offsets = [0, 896], sizes = [1, 32], strides = [1, 1]} : vector<1x4096xi32> to vector<1x32xi32>
    %squeeze3A_655 = vector.shape_cast %slice3A_654 : vector<1x32xi32> to vector<32xi32>
    %swap3A_656 = arith.constant 0 : index
    %swap3A_657 = arith.constant 28 : index
    %swap3A_658 = arith.constant 0 : index
    %swap3A_659 = vector.load %arg2[%swap3A_656, %swap3A_657, %swap3A_658] : memref<4x32x32xi32, #tpu.memory_space<vmem>>, vector<1x1x32xi32>
    %swap3A_660 = vector.shape_cast %swap3A_659 : vector<1x1x32xi32> to vector<32xi32>
    %swap3A_661 = vector.shape_cast %squeeze3A_655 : vector<32xi32> to vector<1x1x32xi32>
    tpu.vector_store %arg2[%swap3A_656, %swap3A_657, %swap3A_658], %swap3A_661 {strides = array<i32>} : memref<4x32x32xi32, #tpu.memory_space<vmem>>, vector<1x1x32xi32>,
    %slice3A_662 = vector.extract_strided_slice %broadcast_in_dim3A_429 {offsets = [0, 928], sizes = [1, 32], strides = [1, 1]} : vector<1x4096xi32> to vector<1x32xi32>
    %squeeze3A_663 = vector.shape_cast %slice3A_662 : vector<1x32xi32> to vector<32xi32>
    %swap3A_664 = arith.constant 0 : index
    %swap3A_665 = arith.constant 29 : index
    %swap3A_666 = arith.constant 0 : index
    %swap3A_667 = vector.load %arg2[%swap3A_664, %swap3A_665, %swap3A_666] : memref<4x32x32xi32, #tpu.memory_space<vmem>>, vector<1x1x32xi32>
    %swap3A_668 = vector.shape_cast %swap3A_667 : vector<1x1x32xi32> to vector<32xi32>
    %swap3A_669 = vector.shape_cast %squeeze3A_663 : vector<32xi32> to vector<1x1x32xi32>
    tpu.vector_store %arg2[%swap3A_664, %swap3A_665, %swap3A_666], %swap3A_669 {strides = array<i32>} : memref<4x32x32xi32, #tpu.memory_space<vmem>>, vector<1x1x32xi32>,
    %slice3A_670 = vector.extract_strided_slice %broadcast_in_dim3A_429 {offsets = [0, 960], sizes = [1, 32], strides = [1, 1]} : vector<1x4096xi32> to vector<1x32xi32>
    %squeeze3A_671 = vector.shape_cast %slice3A_670 : vector<1x32xi32> to vector<32xi32>
    %swap3A_672 = arith.constant 0 : index
    %swap3A_673 = arith.constant 30 : index
    %swap3A_674 = arith.constant 0 : index
    %swap3A_675 = vector.load %arg2[%swap3A_672, %swap3A_673, %swap3A_674] : memref<4x32x32xi32, #tpu.memory_space<vmem>>, vector<1x1x32xi32>
    %swap3A_676 = vector.shape_cast %swap3A_675 : vector<1x1x32xi32> to vector<32xi32>
    %swap3A_677 = vector.shape_cast %squeeze3A_671 : vector<32xi32> to vector<1x1x32xi32>
    tpu.vector_store %arg2[%swap3A_672, %swap3A_673, %swap3A_674], %swap3A_677 {strides = array<i32>} : memref<4x32x32xi32, #tpu.memory_space<vmem>>, vector<1x1x32xi32>,
    %slice3A_678 = vector.extract_strided_slice %broadcast_in_dim3A_429 {offsets = [0, 992], sizes = [1, 32], strides = [1, 1]} : vector<1x4096xi32> to vector<1x32xi32>
    %squeeze3A_679 = vector.shape_cast %slice3A_678 : vector<1x32xi32> to vector<32xi32>
    %swap3A_680 = arith.constant 0 : index
    %swap3A_681 = arith.constant 31 : index
    %swap3A_682 = arith.constant 0 : index
    %swap3A_683 = vector.load %arg2[%swap3A_680, %swap3A_681, %swap3A_682] : memref<4x32x32xi32, #tpu.memory_space<vmem>>, vector<1x1x32xi32>
    %swap3A_684 = vector.shape_cast %swap3A_683 : vector<1x1x32xi32> to vector<32xi32>
    %swap3A_685 = vector.shape_cast %squeeze3A_679 : vector<32xi32> to vector<1x1x32xi32>
    tpu.vector_store %arg2[%swap3A_680, %swap3A_681, %swap3A_682], %swap3A_685 {strides = array<i32>} : memref<4x32x32xi32, #tpu.memory_space<vmem>>, vector<1x1x32xi32>,
    %slice3A_686 = vector.extract_strided_slice %broadcast_in_dim3A_429 {offsets = [0, 1024], sizes = [1, 32], strides = [1, 1]} : vector<1x4096xi32> to vector<1x32xi32>
    %squeeze3A_687 = vector.shape_cast %slice3A_686 : vector<1x32xi32> to vector<32xi32>
    %swap3A_688 = arith.constant 1 : index
    %swap3A_689 = arith.constant 0 : index
    %swap3A_690 = arith.constant 0 : index
    %swap3A_691 = vector.load %arg2[%swap3A_688, %swap3A_689, %swap3A_690] : memref<4x32x32xi32, #tpu.memory_space<vmem>>, vector<1x1x32xi32>
    %swap3A_692 = vector.shape_cast %swap3A_691 : vector<1x1x32xi32> to vector<32xi32>
    %swap3A_693 = vector.shape_cast %squeeze3A_687 : vector<32xi32> to vector<1x1x32xi32>
    tpu.vector_store %arg2[%swap3A_688, %swap3A_689, %swap3A_690], %swap3A_693 {strides = array<i32>} : memref<4x32x32xi32, #tpu.memory_space<vmem>>, vector<1x1x32xi32>,
    %slice3A_694 = vector.extract_strided_slice %broadcast_in_dim3A_429 {offsets = [0, 1056], sizes = [1, 32], strides = [1, 1]} : vector<1x4096xi32> to vector<1x32xi32>
    %squeeze3A_695 = vector.shape_cast %slice3A_694 : vector<1x32xi32> to vector<32xi32>
    %swap3A_696 = arith.constant 1 : index
    %swap3A_697 = arith.constant 1 : index
    %swap3A_698 = arith.constant 0 : index
    %swap3A_699 = vector.load %arg2[%swap3A_696, %swap3A_697, %swap3A_698] : memref<4x32x32xi32, #tpu.memory_space<vmem>>, vector<1x1x32xi32>
    %swap3A_700 = vector.shape_cast %swap3A_699 : vector<1x1x32xi32> to vector<32xi32>
    %swap3A_701 = vector.shape_cast %squeeze3A_695 : vector<32xi32> to vector<1x1x32xi32>
    tpu.vector_store %arg2[%swap3A_696, %swap3A_697, %swap3A_698], %swap3A_701 {strides = array<i32>} : memref<4x32x32xi32, #tpu.memory_space<vmem>>, vector<1x1x32xi32>,
    %slice3A_702 = vector.extract_strided_slice %broadcast_in_dim3A_429 {offsets = [0, 1088], sizes = [1, 32], strides = [1, 1]} : vector<1x4096xi32> to vector<1x32xi32>
    %squeeze3A_703 = vector.shape_cast %slice3A_702 : vector<1x32xi32> to vector<32xi32>
    %swap3A_704 = arith.constant 1 : index
    %swap3A_705 = arith.constant 2 : index
    %swap3A_706 = arith.constant 0 : index
    %swap3A_707 = vector.load %arg2[%swap3A_704, %swap3A_705, %swap3A_706] : memref<4x32x32xi32, #tpu.memory_space<vmem>>, vector<1x1x32xi32>
    %swap3A_708 = vector.shape_cast %swap3A_707 : vector<1x1x32xi32> to vector<32xi32>
    %swap3A_709 = vector.shape_cast %squeeze3A_703 : vector<32xi32> to vector<1x1x32xi32>
    tpu.vector_store %arg2[%swap3A_704, %swap3A_705, %swap3A_706], %swap3A_709 {strides = array<i32>} : memref<4x32x32xi32, #tpu.memory_space<vmem>>, vector<1x1x32xi32>,
    %slice3A_710 = vector.extract_strided_slice %broadcast_in_dim3A_429 {offsets = [0, 1120], sizes = [1, 32], strides = [1, 1]} : vector<1x4096xi32> to vector<1x32xi32>
    %squeeze3A_711 = vector.shape_cast %slice3A_710 : vector<1x32xi32> to vector<32xi32>
    %swap3A_712 = arith.constant 1 : index
    %swap3A_713 = arith.constant 3 : index
    %swap3A_714 = arith.constant 0 : index
    %swap3A_715 = vector.load %arg2[%swap3A_712, %swap3A_713, %swap3A_714] : memref<4x32x32xi32, #tpu.memory_space<vmem>>, vector<1x1x32xi32>
    %swap3A_716 = vector.shape_cast %swap3A_715 : vector<1x1x32xi32> to vector<32xi32>
    %swap3A_717 = vector.shape_cast %squeeze3A_711 : vector<32xi32> to vector<1x1x32xi32>
    tpu.vector_store %arg2[%swap3A_712, %swap3A_713, %swap3A_714], %swap3A_717 {strides = array<i32>} : memref<4x32x32xi32, #tpu.memory_space<vmem>>, vector<1x1x32xi32>,
    %slice3A_718 = vector.extract_strided_slice %broadcast_in_dim3A_429 {offsets = [0, 1152], sizes = [1, 32], strides = [1, 1]} : vector<1x4096xi32> to vector<1x32xi32>
    %squeeze3A_719 = vector.shape_cast %slice3A_718 : vector<1x32xi32> to vector<32xi32>
    %swap3A_720 = arith.constant 1 : index
    %swap3A_721 = arith.constant 4 : index
    %swap3A_722 = arith.constant 0 : index
    %swap3A_723 = vector.load %arg2[%swap3A_720, %swap3A_721, %swap3A_722] : memref<4x32x32xi32, #tpu.memory_space<vmem>>, vector<1x1x32xi32>
    %swap3A_724 = vector.shape_cast %swap3A_723 : vector<1x1x32xi32> to vector<32xi32>
    %swap3A_725 = vector.shape_cast %squeeze3A_719 : vector<32xi32> to vector<1x1x32xi32>
    tpu.vector_store %arg2[%swap3A_720, %swap3A_721, %swap3A_722], %swap3A_725 {strides = array<i32>} : memref<4x32x32xi32, #tpu.memory_space<vmem>>, vector<1x1x32xi32>,
    %slice3A_726 = vector.extract_strided_slice %broadcast_in_dim3A_429 {offsets = [0, 1184], sizes = [1, 32], strides = [1, 1]} : vector<1x4096xi32> to vector<1x32xi32>
    %squeeze3A_727 = vector.shape_cast %slice3A_726 : vector<1x32xi32> to vector<32xi32>
    %swap3A_728 = arith.constant 1 : index
    %swap3A_729 = arith.constant 5 : index
    %swap3A_730 = arith.constant 0 : index
    %swap3A_731 = vector.load %arg2[%swap3A_728, %swap3A_729, %swap3A_730] : memref<4x32x32xi32, #tpu.memory_space<vmem>>, vector<1x1x32xi32>
    %swap3A_732 = vector.shape_cast %swap3A_731 : vector<1x1x32xi32> to vector<32xi32>
    %swap3A_733 = vector.shape_cast %squeeze3A_727 : vector<32xi32> to vector<1x1x32xi32>
    tpu.vector_store %arg2[%swap3A_728, %swap3A_729, %swap3A_730], %swap3A_733 {strides = array<i32>} : memref<4x32x32xi32, #tpu.memory_space<vmem>>, vector<1x1x32xi32>,
    %slice3A_734 = vector.extract_strided_slice %broadcast_in_dim3A_429 {offsets = [0, 1216], sizes = [1, 32], strides = [1, 1]} : vector<1x4096xi32> to vector<1x32xi32>
    %squeeze3A_735 = vector.shape_cast %slice3A_734 : vector<1x32xi32> to vector<32xi32>
    %swap3A_736 = arith.constant 1 : index
    %swap3A_737 = arith.constant 6 : index
    %swap3A_738 = arith.constant 0 : index
    %swap3A_739 = vector.load %arg2[%swap3A_736, %swap3A_737, %swap3A_738] : memref<4x32x32xi32, #tpu.memory_space<vmem>>, vector<1x1x32xi32>
    %swap3A_740 = vector.shape_cast %swap3A_739 : vector<1x1x32xi32> to vector<32xi32>
    %swap3A_741 = vector.shape_cast %squeeze3A_735 : vector<32xi32> to vector<1x1x32xi32>
    tpu.vector_store %arg2[%swap3A_736, %swap3A_737, %swap3A_738], %swap3A_741 {strides = array<i32>} : memref<4x32x32xi32, #tpu.memory_space<vmem>>, vector<1x1x32xi32>,
    %slice3A_742 = vector.extract_strided_slice %broadcast_in_dim3A_429 {offsets = [0, 1248], sizes = [1, 32], strides = [1, 1]} : vector<1x4096xi32> to vector<1x32xi32>
    %squeeze3A_743 = vector.shape_cast %slice3A_742 : vector<1x32xi32> to vector<32xi32>
    %swap3A_744 = arith.constant 1 : index
    %swap3A_745 = arith.constant 7 : index
    %swap3A_746 = arith.constant 0 : index
    %swap3A_747 = vector.load %arg2[%swap3A_744, %swap3A_745, %swap3A_746] : memref<4x32x32xi32, #tpu.memory_space<vmem>>, vector<1x1x32xi32>
    %swap3A_748 = vector.shape_cast %swap3A_747 : vector<1x1x32xi32> to vector<32xi32>
    %swap3A_749 = vector.shape_cast %squeeze3A_743 : vector<32xi32> to vector<1x1x32xi32>
    tpu.vector_store %arg2[%swap3A_744, %swap3A_745, %swap3A_746], %swap3A_749 {strides = array<i32>} : memref<4x32x32xi32, #tpu.memory_space<vmem>>, vector<1x1x32xi32>,
    %slice3A_750 = vector.extract_strided_slice %broadcast_in_dim3A_429 {offsets = [0, 1280], sizes = [1, 32], strides = [1, 1]} : vector<1x4096xi32> to vector<1x32xi32>
    %squeeze3A_751 = vector.shape_cast %slice3A_750 : vector<1x32xi32> to vector<32xi32>
    %swap3A_752 = arith.constant 1 : index
    %swap3A_753 = arith.constant 8 : index
    %swap3A_754 = arith.constant 0 : index
    %swap3A_755 = vector.load %arg2[%swap3A_752, %swap3A_753, %swap3A_754] : memref<4x32x32xi32, #tpu.memory_space<vmem>>, vector<1x1x32xi32>
    %swap3A_756 = vector.shape_cast %swap3A_755 : vector<1x1x32xi32> to vector<32xi32>
    %swap3A_757 = vector.shape_cast %squeeze3A_751 : vector<32xi32> to vector<1x1x32xi32>
    tpu.vector_store %arg2[%swap3A_752, %swap3A_753, %swap3A_754], %swap3A_757 {strides = array<i32>} : memref<4x32x32xi32, #tpu.memory_space<vmem>>, vector<1x1x32xi32>,
    %slice3A_758 = vector.extract_strided_slice %broadcast_in_dim3A_429 {offsets = [0, 1312], sizes = [1, 32], strides = [1, 1]} : vector<1x4096xi32> to vector<1x32xi32>
    %squeeze3A_759 = vector.shape_cast %slice3A_758 : vector<1x32xi32> to vector<32xi32>
    %swap3A_760 = arith.constant 1 : index
    %swap3A_761 = arith.constant 9 : index
    %swap3A_762 = arith.constant 0 : index
    %swap3A_763 = vector.load %arg2[%swap3A_760, %swap3A_761, %swap3A_762] : memref<4x32x32xi32, #tpu.memory_space<vmem>>, vector<1x1x32xi32>
    %swap3A_764 = vector.shape_cast %swap3A_763 : vector<1x1x32xi32> to vector<32xi32>
    %swap3A_765 = vector.shape_cast %squeeze3A_759 : vector<32xi32> to vector<1x1x32xi32>
    tpu.vector_store %arg2[%swap3A_760, %swap3A_761, %swap3A_762], %swap3A_765 {strides = array<i32>} : memref<4x32x32xi32, #tpu.memory_space<vmem>>, vector<1x1x32xi32>,
    %slice3A_766 = vector.extract_strided_slice %broadcast_in_dim3A_429 {offsets = [0, 1344], sizes = [1, 32], strides = [1, 1]} : vector<1x4096xi32> to vector<1x32xi32>
    %squeeze3A_767 = vector.shape_cast %slice3A_766 : vector<1x32xi32> to vector<32xi32>
    %swap3A_768 = arith.constant 1 : index
    %swap3A_769 = arith.constant 10 : index
    %swap3A_770 = arith.constant 0 : index
    %swap3A_771 = vector.load %arg2[%swap3A_768, %swap3A_769, %swap3A_770] : memref<4x32x32xi32, #tpu.memory_space<vmem>>, vector<1x1x32xi32>
    %swap3A_772 = vector.shape_cast %swap3A_771 : vector<1x1x32xi32> to vector<32xi32>
    %swap3A_773 = vector.shape_cast %squeeze3A_767 : vector<32xi32> to vector<1x1x32xi32>
    tpu.vector_store %arg2[%swap3A_768, %swap3A_769, %swap3A_770], %swap3A_773 {strides = array<i32>} : memref<4x32x32xi32, #tpu.memory_space<vmem>>, vector<1x1x32xi32>,
    %slice3A_774 = vector.extract_strided_slice %broadcast_in_dim3A_429 {offsets = [0, 1376], sizes = [1, 32], strides = [1, 1]} : vector<1x4096xi32> to vector<1x32xi32>
    %squeeze3A_775 = vector.shape_cast %slice3A_774 : vector<1x32xi32> to vector<32xi32>
    %swap3A_776 = arith.constant 1 : index
    %swap3A_777 = arith.constant 11 : index
    %swap3A_778 = arith.constant 0 : index
    %swap3A_779 = vector.load %arg2[%swap3A_776, %swap3A_777, %swap3A_778] : memref<4x32x32xi32, #tpu.memory_space<vmem>>, vector<1x1x32xi32>
    %swap3A_780 = vector.shape_cast %swap3A_779 : vector<1x1x32xi32> to vector<32xi32>
    %swap3A_781 = vector.shape_cast %squeeze3A_775 : vector<32xi32> to vector<1x1x32xi32>
    tpu.vector_store %arg2[%swap3A_776, %swap3A_777, %swap3A_778], %swap3A_781 {strides = array<i32>} : memref<4x32x32xi32, #tpu.memory_space<vmem>>, vector<1x1x32xi32>,
    %slice3A_782 = vector.extract_strided_slice %broadcast_in_dim3A_429 {offsets = [0, 1408], sizes = [1, 32], strides = [1, 1]} : vector<1x4096xi32> to vector<1x32xi32>
    %squeeze3A_783 = vector.shape_cast %slice3A_782 : vector<1x32xi32> to vector<32xi32>
    %swap3A_784 = arith.constant 1 : index
    %swap3A_785 = arith.constant 12 : index
    %swap3A_786 = arith.constant 0 : index
    %swap3A_787 = vector.load %arg2[%swap3A_784, %swap3A_785, %swap3A_786] : memref<4x32x32xi32, #tpu.memory_space<vmem>>, vector<1x1x32xi32>
    %swap3A_788 = vector.shape_cast %swap3A_787 : vector<1x1x32xi32> to vector<32xi32>
    %swap3A_789 = vector.shape_cast %squeeze3A_783 : vector<32xi32> to vector<1x1x32xi32>
    tpu.vector_store %arg2[%swap3A_784, %swap3A_785, %swap3A_786], %swap3A_789 {strides = array<i32>} : memref<4x32x32xi32, #tpu.memory_space<vmem>>, vector<1x1x32xi32>,
    %slice3A_790 = vector.extract_strided_slice %broadcast_in_dim3A_429 {offsets = [0, 1440], sizes = [1, 32], strides = [1, 1]} : vector<1x4096xi32> to vector<1x32xi32>
    %squeeze3A_791 = vector.shape_cast %slice3A_790 : vector<1x32xi32> to vector<32xi32>
    %swap3A_792 = arith.constant 1 : index
    %swap3A_793 = arith.constant 13 : index
    %swap3A_794 = arith.constant 0 : index
    %swap3A_795 = vector.load %arg2[%swap3A_792, %swap3A_793, %swap3A_794] : memref<4x32x32xi32, #tpu.memory_space<vmem>>, vector<1x1x32xi32>
    %swap3A_796 = vector.shape_cast %swap3A_795 : vector<1x1x32xi32> to vector<32xi32>
    %swap3A_797 = vector.shape_cast %squeeze3A_791 : vector<32xi32> to vector<1x1x32xi32>
    tpu.vector_store %arg2[%swap3A_792, %swap3A_793, %swap3A_794], %swap3A_797 {strides = array<i32>} : memref<4x32x32xi32, #tpu.memory_space<vmem>>, vector<1x1x32xi32>,
    %slice3A_798 = vector.extract_strided_slice %broadcast_in_dim3A_429 {offsets = [0, 1472], sizes = [1, 32], strides = [1, 1]} : vector<1x4096xi32> to vector<1x32xi32>
    %squeeze3A_799 = vector.shape_cast %slice3A_798 : vector<1x32xi32> to vector<32xi32>
    %swap3A_800 = arith.constant 1 : index
    %swap3A_801 = arith.constant 14 : index
    %swap3A_802 = arith.constant 0 : index
    %swap3A_803 = vector.load %arg2[%swap3A_800, %swap3A_801, %swap3A_802] : memref<4x32x32xi32, #tpu.memory_space<vmem>>, vector<1x1x32xi32>
    %swap3A_804 = vector.shape_cast %swap3A_803 : vector<1x1x32xi32> to vector<32xi32>
    %swap3A_805 = vector.shape_cast %squeeze3A_799 : vector<32xi32> to vector<1x1x32xi32>
    tpu.vector_store %arg2[%swap3A_800, %swap3A_801, %swap3A_802], %swap3A_805 {strides = array<i32>} : memref<4x32x32xi32, #tpu.memory_space<vmem>>, vector<1x1x32xi32>,
    %slice3A_806 = vector.extract_strided_slice %broadcast_in_dim3A_429 {offsets = [0, 1504], sizes = [1, 32], strides = [1, 1]} : vector<1x4096xi32> to vector<1x32xi32>
    %squeeze3A_807 = vector.shape_cast %slice3A_806 : vector<1x32xi32> to vector<32xi32>
    %swap3A_808 = arith.constant 1 : index
    %swap3A_809 = arith.constant 15 : index
    %swap3A_810 = arith.constant 0 : index
    %swap3A_811 = vector.load %arg2[%swap3A_808, %swap3A_809, %swap3A_810] : memref<4x32x32xi32, #tpu.memory_space<vmem>>, vector<1x1x32xi32>
    %swap3A_812 = vector.shape_cast %swap3A_811 : vector<1x1x32xi32> to vector<32xi32>
    %swap3A_813 = vector.shape_cast %squeeze3A_807 : vector<32xi32> to vector<1x1x32xi32>
    tpu.vector_store %arg2[%swap3A_808, %swap3A_809, %swap3A_810], %swap3A_813 {strides = array<i32>} : memref<4x32x32xi32, #tpu.memory_space<vmem>>, vector<1x1x32xi32>,
    %slice3A_814 = vector.extract_strided_slice %broadcast_in_dim3A_429 {offsets = [0, 1536], sizes = [1, 32], strides = [1, 1]} : vector<1x4096xi32> to vector<1x32xi32>
    %squeeze3A_815 = vector.shape_cast %slice3A_814 : vector<1x32xi32> to vector<32xi32>
    %swap3A_816 = arith.constant 1 : index
    %swap3A_817 = arith.constant 16 : index
    %swap3A_818 = arith.constant 0 : index
    %swap3A_819 = vector.load %arg2[%swap3A_816, %swap3A_817, %swap3A_818] : memref<4x32x32xi32, #tpu.memory_space<vmem>>, vector<1x1x32xi32>
    %swap3A_820 = vector.shape_cast %swap3A_819 : vector<1x1x32xi32> to vector<32xi32>
    %swap3A_821 = vector.shape_cast %squeeze3A_815 : vector<32xi32> to vector<1x1x32xi32>
    tpu.vector_store %arg2[%swap3A_816, %swap3A_817, %swap3A_818], %swap3A_821 {strides = array<i32>} : memref<4x32x32xi32, #tpu.memory_space<vmem>>, vector<1x1x32xi32>,
    %slice3A_822 = vector.extract_strided_slice %broadcast_in_dim3A_429 {offsets = [0, 1568], sizes = [1, 32], strides = [1, 1]} : vector<1x4096xi32> to vector<1x32xi32>
    %squeeze3A_823 = vector.shape_cast %slice3A_822 : vector<1x32xi32> to vector<32xi32>
    %swap3A_824 = arith.constant 1 : index
    %swap3A_825 = arith.constant 17 : index
    %swap3A_826 = arith.constant 0 : index
    %swap3A_827 = vector.load %arg2[%swap3A_824, %swap3A_825, %swap3A_826] : memref<4x32x32xi32, #tpu.memory_space<vmem>>, vector<1x1x32xi32>
    %swap3A_828 = vector.shape_cast %swap3A_827 : vector<1x1x32xi32> to vector<32xi32>
    %swap3A_829 = vector.shape_cast %squeeze3A_823 : vector<32xi32> to vector<1x1x32xi32>
    tpu.vector_store %arg2[%swap3A_824, %swap3A_825, %swap3A_826], %swap3A_829 {strides = array<i32>} : memref<4x32x32xi32, #tpu.memory_space<vmem>>, vector<1x1x32xi32>,
    %slice3A_830 = vector.extract_strided_slice %broadcast_in_dim3A_429 {offsets = [0, 1600], sizes = [1, 32], strides = [1, 1]} : vector<1x4096xi32> to vector<1x32xi32>
    %squeeze3A_831 = vector.shape_cast %slice3A_830 : vector<1x32xi32> to vector<32xi32>
    %swap3A_832 = arith.constant 1 : index
    %swap3A_833 = arith.constant 18 : index
    %swap3A_834 = arith.constant 0 : index
    %swap3A_835 = vector.load %arg2[%swap3A_832, %swap3A_833, %swap3A_834] : memref<4x32x32xi32, #tpu.memory_space<vmem>>, vector<1x1x32xi32>
    %swap3A_836 = vector.shape_cast %swap3A_835 : vector<1x1x32xi32> to vector<32xi32>
    %swap3A_837 = vector.shape_cast %squeeze3A_831 : vector<32xi32> to vector<1x1x32xi32>
    tpu.vector_store %arg2[%swap3A_832, %swap3A_833, %swap3A_834], %swap3A_837 {strides = array<i32>} : memref<4x32x32xi32, #tpu.memory_space<vmem>>, vector<1x1x32xi32>,
    %slice3A_838 = vector.extract_strided_slice %broadcast_in_dim3A_429 {offsets = [0, 1632], sizes = [1, 32], strides = [1, 1]} : vector<1x4096xi32> to vector<1x32xi32>
    %squeeze3A_839 = vector.shape_cast %slice3A_838 : vector<1x32xi32> to vector<32xi32>
    %swap3A_840 = arith.constant 1 : index
    %swap3A_841 = arith.constant 19 : index
    %swap3A_842 = arith.constant 0 : index
    %swap3A_843 = vector.load %arg2[%swap3A_840, %swap3A_841, %swap3A_842] : memref<4x32x32xi32, #tpu.memory_space<vmem>>, vector<1x1x32xi32>
    %swap3A_844 = vector.shape_cast %swap3A_843 : vector<1x1x32xi32> to vector<32xi32>
    %swap3A_845 = vector.shape_cast %squeeze3A_839 : vector<32xi32> to vector<1x1x32xi32>
    tpu.vector_store %arg2[%swap3A_840, %swap3A_841, %swap3A_842], %swap3A_845 {strides = array<i32>} : memref<4x32x32xi32, #tpu.memory_space<vmem>>, vector<1x1x32xi32>,
    %slice3A_846 = vector.extract_strided_slice %broadcast_in_dim3A_429 {offsets = [0, 1664], sizes = [1, 32], strides = [1, 1]} : vector<1x4096xi32> to vector<1x32xi32>
    %squeeze3A_847 = vector.shape_cast %slice3A_846 : vector<1x32xi32> to vector<32xi32>
    %swap3A_848 = arith.constant 1 : index
    %swap3A_849 = arith.constant 20 : index
    %swap3A_850 = arith.constant 0 : index
    %swap3A_851 = vector.load %arg2[%swap3A_848, %swap3A_849, %swap3A_850] : memref<4x32x32xi32, #tpu.memory_space<vmem>>, vector<1x1x32xi32>
    %swap3A_852 = vector.shape_cast %swap3A_851 : vector<1x1x32xi32> to vector<32xi32>
    %swap3A_853 = vector.shape_cast %squeeze3A_847 : vector<32xi32> to vector<1x1x32xi32>
    tpu.vector_store %arg2[%swap3A_848, %swap3A_849, %swap3A_850], %swap3A_853 {strides = array<i32>} : memref<4x32x32xi32, #tpu.memory_space<vmem>>, vector<1x1x32xi32>,
    %slice3A_854 = vector.extract_strided_slice %broadcast_in_dim3A_429 {offsets = [0, 1696], sizes = [1, 32], strides = [1, 1]} : vector<1x4096xi32> to vector<1x32xi32>
    %squeeze3A_855 = vector.shape_cast %slice3A_854 : vector<1x32xi32> to vector<32xi32>
    %swap3A_856 = arith.constant 1 : index
    %swap3A_857 = arith.constant 21 : index
    %swap3A_858 = arith.constant 0 : index
    %swap3A_859 = vector.load %arg2[%swap3A_856, %swap3A_857, %swap3A_858] : memref<4x32x32xi32, #tpu.memory_space<vmem>>, vector<1x1x32xi32>
    %swap3A_860 = vector.shape_cast %swap3A_859 : vector<1x1x32xi32> to vector<32xi32>
    %swap3A_861 = vector.shape_cast %squeeze3A_855 : vector<32xi32> to vector<1x1x32xi32>
    tpu.vector_store %arg2[%swap3A_856, %swap3A_857, %swap3A_858], %swap3A_861 {strides = array<i32>} : memref<4x32x32xi32, #tpu.memory_space<vmem>>, vector<1x1x32xi32>,
    %slice3A_862 = vector.extract_strided_slice %broadcast_in_dim3A_429 {offsets = [0, 1728], sizes = [1, 32], strides = [1, 1]} : vector<1x4096xi32> to vector<1x32xi32>
    %squeeze3A_863 = vector.shape_cast %slice3A_862 : vector<1x32xi32> to vector<32xi32>
    %swap3A_864 = arith.constant 1 : index
    %swap3A_865 = arith.constant 22 : index
    %swap3A_866 = arith.constant 0 : index
    %swap3A_867 = vector.load %arg2[%swap3A_864, %swap3A_865, %swap3A_866] : memref<4x32x32xi32, #tpu.memory_space<vmem>>, vector<1x1x32xi32>
    %swap3A_868 = vector.shape_cast %swap3A_867 : vector<1x1x32xi32> to vector<32xi32>
    %swap3A_869 = vector.shape_cast %squeeze3A_863 : vector<32xi32> to vector<1x1x32xi32>
    tpu.vector_store %arg2[%swap3A_864, %swap3A_865, %swap3A_866], %swap3A_869 {strides = array<i32>} : memref<4x32x32xi32, #tpu.memory_space<vmem>>, vector<1x1x32xi32>,
    %slice3A_870 = vector.extract_strided_slice %broadcast_in_dim3A_429 {offsets = [0, 1760], sizes = [1, 32], strides = [1, 1]} : vector<1x4096xi32> to vector<1x32xi32>
    %squeeze3A_871 = vector.shape_cast %slice3A_870 : vector<1x32xi32> to vector<32xi32>
    %swap3A_872 = arith.constant 1 : index
    %swap3A_873 = arith.constant 23 : index
    %swap3A_874 = arith.constant 0 : index
    %swap3A_875 = vector.load %arg2[%swap3A_872, %swap3A_873, %swap3A_874] : memref<4x32x32xi32, #tpu.memory_space<vmem>>, vector<1x1x32xi32>
    %swap3A_876 = vector.shape_cast %swap3A_875 : vector<1x1x32xi32> to vector<32xi32>
    %swap3A_877 = vector.shape_cast %squeeze3A_871 : vector<32xi32> to vector<1x1x32xi32>
    tpu.vector_store %arg2[%swap3A_872, %swap3A_873, %swap3A_874], %swap3A_877 {strides = array<i32>} : memref<4x32x32xi32, #tpu.memory_space<vmem>>, vector<1x1x32xi32>,
    %slice3A_878 = vector.extract_strided_slice %broadcast_in_dim3A_429 {offsets = [0, 1792], sizes = [1, 32], strides = [1, 1]} : vector<1x4096xi32> to vector<1x32xi32>
    %squeeze3A_879 = vector.shape_cast %slice3A_878 : vector<1x32xi32> to vector<32xi32>
    %swap3A_880 = arith.constant 1 : index
    %swap3A_881 = arith.constant 24 : index
    %swap3A_882 = arith.constant 0 : index
    %swap3A_883 = vector.load %arg2[%swap3A_880, %swap3A_881, %swap3A_882] : memref<4x32x32xi32, #tpu.memory_space<vmem>>, vector<1x1x32xi32>
    %swap3A_884 = vector.shape_cast %swap3A_883 : vector<1x1x32xi32> to vector<32xi32>
    %swap3A_885 = vector.shape_cast %squeeze3A_879 : vector<32xi32> to vector<1x1x32xi32>
    tpu.vector_store %arg2[%swap3A_880, %swap3A_881, %swap3A_882], %swap3A_885 {strides = array<i32>} : memref<4x32x32xi32, #tpu.memory_space<vmem>>, vector<1x1x32xi32>,
    %slice3A_886 = vector.extract_strided_slice %broadcast_in_dim3A_429 {offsets = [0, 1824], sizes = [1, 32], strides = [1, 1]} : vector<1x4096xi32> to vector<1x32xi32>
    %squeeze3A_887 = vector.shape_cast %slice3A_886 : vector<1x32xi32> to vector<32xi32>
    %swap3A_888 = arith.constant 1 : index
    %swap3A_889 = arith.constant 25 : index
    %swap3A_890 = arith.constant 0 : index
    %swap3A_891 = vector.load %arg2[%swap3A_888, %swap3A_889, %swap3A_890] : memref<4x32x32xi32, #tpu.memory_space<vmem>>, vector<1x1x32xi32>
    %swap3A_892 = vector.shape_cast %swap3A_891 : vector<1x1x32xi32> to vector<32xi32>
    %swap3A_893 = vector.shape_cast %squeeze3A_887 : vector<32xi32> to vector<1x1x32xi32>
    tpu.vector_store %arg2[%swap3A_888, %swap3A_889, %swap3A_890], %swap3A_893 {strides = array<i32>} : memref<4x32x32xi32, #tpu.memory_space<vmem>>, vector<1x1x32xi32>,
    %slice3A_894 = vector.extract_strided_slice %broadcast_in_dim3A_429 {offsets = [0, 1856], sizes = [1, 32], strides = [1, 1]} : vector<1x4096xi32> to vector<1x32xi32>
    %squeeze3A_895 = vector.shape_cast %slice3A_894 : vector<1x32xi32> to vector<32xi32>
    %swap3A_896 = arith.constant 1 : index
    %swap3A_897 = arith.constant 26 : index
    %swap3A_898 = arith.constant 0 : index
    %swap3A_899 = vector.load %arg2[%swap3A_896, %swap3A_897, %swap3A_898] : memref<4x32x32xi32, #tpu.memory_space<vmem>>, vector<1x1x32xi32>
    %swap3A_900 = vector.shape_cast %swap3A_899 : vector<1x1x32xi32> to vector<32xi32>
    %swap3A_901 = vector.shape_cast %squeeze3A_895 : vector<32xi32> to vector<1x1x32xi32>
    tpu.vector_store %arg2[%swap3A_896, %swap3A_897, %swap3A_898], %swap3A_901 {strides = array<i32>} : memref<4x32x32xi32, #tpu.memory_space<vmem>>, vector<1x1x32xi32>,
    %slice3A_902 = vector.extract_strided_slice %broadcast_in_dim3A_429 {offsets = [0, 1888], sizes = [1, 32], strides = [1, 1]} : vector<1x4096xi32> to vector<1x32xi32>
    %squeeze3A_903 = vector.shape_cast %slice3A_902 : vector<1x32xi32> to vector<32xi32>
    %swap3A_904 = arith.constant 1 : index
    %swap3A_905 = arith.constant 27 : index
    %swap3A_906 = arith.constant 0 : index
    %swap3A_907 = vector.load %arg2[%swap3A_904, %swap3A_905, %swap3A_906] : memref<4x32x32xi32, #tpu.memory_space<vmem>>, vector<1x1x32xi32>
    %swap3A_908 = vector.shape_cast %swap3A_907 : vector<1x1x32xi32> to vector<32xi32>
    %swap3A_909 = vector.shape_cast %squeeze3A_903 : vector<32xi32> to vector<1x1x32xi32>
    tpu.vector_store %arg2[%swap3A_904, %swap3A_905, %swap3A_906], %swap3A_909 {strides = array<i32>} : memref<4x32x32xi32, #tpu.memory_space<vmem>>, vector<1x1x32xi32>,
    %slice3A_910 = vector.extract_strided_slice %broadcast_in_dim3A_429 {offsets = [0, 1920], sizes = [1, 32], strides = [1, 1]} : vector<1x4096xi32> to vector<1x32xi32>
    %squeeze3A_911 = vector.shape_cast %slice3A_910 : vector<1x32xi32> to vector<32xi32>
    %swap3A_912 = arith.constant 1 : index
    %swap3A_913 = arith.constant 28 : index
    %swap3A_914 = arith.constant 0 : index
    %swap3A_915 = vector.load %arg2[%swap3A_912, %swap3A_913, %swap3A_914] : memref<4x32x32xi32, #tpu.memory_space<vmem>>, vector<1x1x32xi32>
    %swap3A_916 = vector.shape_cast %swap3A_915 : vector<1x1x32xi32> to vector<32xi32>
    %swap3A_917 = vector.shape_cast %squeeze3A_911 : vector<32xi32> to vector<1x1x32xi32>
    tpu.vector_store %arg2[%swap3A_912, %swap3A_913, %swap3A_914], %swap3A_917 {strides = array<i32>} : memref<4x32x32xi32, #tpu.memory_space<vmem>>, vector<1x1x32xi32>,
    %slice3A_918 = vector.extract_strided_slice %broadcast_in_dim3A_429 {offsets = [0, 1952], sizes = [1, 32], strides = [1, 1]} : vector<1x4096xi32> to vector<1x32xi32>
    %squeeze3A_919 = vector.shape_cast %slice3A_918 : vector<1x32xi32> to vector<32xi32>
    %swap3A_920 = arith.constant 1 : index
    %swap3A_921 = arith.constant 29 : index
    %swap3A_922 = arith.constant 0 : index
    %swap3A_923 = vector.load %arg2[%swap3A_920, %swap3A_921, %swap3A_922] : memref<4x32x32xi32, #tpu.memory_space<vmem>>, vector<1x1x32xi32>
    %swap3A_924 = vector.shape_cast %swap3A_923 : vector<1x1x32xi32> to vector<32xi32>
    %swap3A_925 = vector.shape_cast %squeeze3A_919 : vector<32xi32> to vector<1x1x32xi32>
    tpu.vector_store %arg2[%swap3A_920, %swap3A_921, %swap3A_922], %swap3A_925 {strides = array<i32>} : memref<4x32x32xi32, #tpu.memory_space<vmem>>, vector<1x1x32xi32>,
    %slice3A_926 = vector.extract_strided_slice %broadcast_in_dim3A_429 {offsets = [0, 1984], sizes = [1, 32], strides = [1, 1]} : vector<1x4096xi32> to vector<1x32xi32>
    %squeeze3A_927 = vector.shape_cast %slice3A_926 : vector<1x32xi32> to vector<32xi32>
    %swap3A_928 = arith.constant 1 : index
    %swap3A_929 = arith.constant 30 : index
    %swap3A_930 = arith.constant 0 : index
    %swap3A_931 = vector.load %arg2[%swap3A_928, %swap3A_929, %swap3A_930] : memref<4x32x32xi32, #tpu.memory_space<vmem>>, vector<1x1x32xi32>
    %swap3A_932 = vector.shape_cast %swap3A_931 : vector<1x1x32xi32> to vector<32xi32>
    %swap3A_933 = vector.shape_cast %squeeze3A_927 : vector<32xi32> to vector<1x1x32xi32>
    tpu.vector_store %arg2[%swap3A_928, %swap3A_929, %swap3A_930], %swap3A_933 {strides = array<i32>} : memref<4x32x32xi32, #tpu.memory_space<vmem>>, vector<1x1x32xi32>,
    %slice3A_934 = vector.extract_strided_slice %broadcast_in_dim3A_429 {offsets = [0, 2016], sizes = [1, 32], strides = [1, 1]} : vector<1x4096xi32> to vector<1x32xi32>
    %squeeze3A_935 = vector.shape_cast %slice3A_934 : vector<1x32xi32> to vector<32xi32>
    %swap3A_936 = arith.constant 1 : index
    %swap3A_937 = arith.constant 31 : index
    %swap3A_938 = arith.constant 0 : index
    %swap3A_939 = vector.load %arg2[%swap3A_936, %swap3A_937, %swap3A_938] : memref<4x32x32xi32, #tpu.memory_space<vmem>>, vector<1x1x32xi32>
    %swap3A_940 = vector.shape_cast %swap3A_939 : vector<1x1x32xi32> to vector<32xi32>
    %swap3A_941 = vector.shape_cast %squeeze3A_935 : vector<32xi32> to vector<1x1x32xi32>
    tpu.vector_store %arg2[%swap3A_936, %swap3A_937, %swap3A_938], %swap3A_941 {strides = array<i32>} : memref<4x32x32xi32, #tpu.memory_space<vmem>>, vector<1x1x32xi32>,
    %slice3A_942 = vector.extract_strided_slice %broadcast_in_dim3A_429 {offsets = [0, 2048], sizes = [1, 32], strides = [1, 1]} : vector<1x4096xi32> to vector<1x32xi32>
    %squeeze3A_943 = vector.shape_cast %slice3A_942 : vector<1x32xi32> to vector<32xi32>
    %swap3A_944 = arith.constant 2 : index
    %swap3A_945 = arith.constant 0 : index
    %swap3A_946 = arith.constant 0 : index
    %swap3A_947 = vector.load %arg2[%swap3A_944, %swap3A_945, %swap3A_946] : memref<4x32x32xi32, #tpu.memory_space<vmem>>, vector<1x1x32xi32>
    %swap3A_948 = vector.shape_cast %swap3A_947 : vector<1x1x32xi32> to vector<32xi32>
    %swap3A_949 = vector.shape_cast %squeeze3A_943 : vector<32xi32> to vector<1x1x32xi32>
    tpu.vector_store %arg2[%swap3A_944, %swap3A_945, %swap3A_946], %swap3A_949 {strides = array<i32>} : memref<4x32x32xi32, #tpu.memory_space<vmem>>, vector<1x1x32xi32>,
    %slice3A_950 = vector.extract_strided_slice %broadcast_in_dim3A_429 {offsets = [0, 2080], sizes = [1, 32], strides = [1, 1]} : vector<1x4096xi32> to vector<1x32xi32>
    %squeeze3A_951 = vector.shape_cast %slice3A_950 : vector<1x32xi32> to vector<32xi32>
    %swap3A_952 = arith.constant 2 : index
    %swap3A_953 = arith.constant 1 : index
    %swap3A_954 = arith.constant 0 : index
    %swap3A_955 = vector.load %arg2[%swap3A_952, %swap3A_953, %swap3A_954] : memref<4x32x32xi32, #tpu.memory_space<vmem>>, vector<1x1x32xi32>
    %swap3A_956 = vector.shape_cast %swap3A_955 : vector<1x1x32xi32> to vector<32xi32>
    %swap3A_957 = vector.shape_cast %squeeze3A_951 : vector<32xi32> to vector<1x1x32xi32>
    tpu.vector_store %arg2[%swap3A_952, %swap3A_953, %swap3A_954], %swap3A_957 {strides = array<i32>} : memref<4x32x32xi32, #tpu.memory_space<vmem>>, vector<1x1x32xi32>,
    %slice3A_958 = vector.extract_strided_slice %broadcast_in_dim3A_429 {offsets = [0, 2112], sizes = [1, 32], strides = [1, 1]} : vector<1x4096xi32> to vector<1x32xi32>
    %squeeze3A_959 = vector.shape_cast %slice3A_958 : vector<1x32xi32> to vector<32xi32>
    %swap3A_960 = arith.constant 2 : index
    %swap3A_961 = arith.constant 2 : index
    %swap3A_962 = arith.constant 0 : index
    %swap3A_963 = vector.load %arg2[%swap3A_960, %swap3A_961, %swap3A_962] : memref<4x32x32xi32, #tpu.memory_space<vmem>>, vector<1x1x32xi32>
    %swap3A_964 = vector.shape_cast %swap3A_963 : vector<1x1x32xi32> to vector<32xi32>
    %swap3A_965 = vector.shape_cast %squeeze3A_959 : vector<32xi32> to vector<1x1x32xi32>
    tpu.vector_store %arg2[%swap3A_960, %swap3A_961, %swap3A_962], %swap3A_965 {strides = array<i32>} : memref<4x32x32xi32, #tpu.memory_space<vmem>>, vector<1x1x32xi32>,
    %slice3A_966 = vector.extract_strided_slice %broadcast_in_dim3A_429 {offsets = [0, 2144], sizes = [1, 32], strides = [1, 1]} : vector<1x4096xi32> to vector<1x32xi32>
    %squeeze3A_967 = vector.shape_cast %slice3A_966 : vector<1x32xi32> to vector<32xi32>
    %swap3A_968 = arith.constant 2 : index
    %swap3A_969 = arith.constant 3 : index
    %swap3A_970 = arith.constant 0 : index
    %swap3A_971 = vector.load %arg2[%swap3A_968, %swap3A_969, %swap3A_970] : memref<4x32x32xi32, #tpu.memory_space<vmem>>, vector<1x1x32xi32>
    %swap3A_972 = vector.shape_cast %swap3A_971 : vector<1x1x32xi32> to vector<32xi32>
    %swap3A_973 = vector.shape_cast %squeeze3A_967 : vector<32xi32> to vector<1x1x32xi32>
    tpu.vector_store %arg2[%swap3A_968, %swap3A_969, %swap3A_970], %swap3A_973 {strides = array<i32>} : memref<4x32x32xi32, #tpu.memory_space<vmem>>, vector<1x1x32xi32>,
    %slice3A_974 = vector.extract_strided_slice %broadcast_in_dim3A_429 {offsets = [0, 2176], sizes = [1, 32], strides = [1, 1]} : vector<1x4096xi32> to vector<1x32xi32>
    %squeeze3A_975 = vector.shape_cast %slice3A_974 : vector<1x32xi32> to vector<32xi32>
    %swap3A_976 = arith.constant 2 : index
    %swap3A_977 = arith.constant 4 : index
    %swap3A_978 = arith.constant 0 : index
    %swap3A_979 = vector.load %arg2[%swap3A_976, %swap3A_977, %swap3A_978] : memref<4x32x32xi32, #tpu.memory_space<vmem>>, vector<1x1x32xi32>
    %swap3A_980 = vector.shape_cast %swap3A_979 : vector<1x1x32xi32> to vector<32xi32>
    %swap3A_981 = vector.shape_cast %squeeze3A_975 : vector<32xi32> to vector<1x1x32xi32>
    tpu.vector_store %arg2[%swap3A_976, %swap3A_977, %swap3A_978], %swap3A_981 {strides = array<i32>} : memref<4x32x32xi32, #tpu.memory_space<vmem>>, vector<1x1x32xi32>,
    %slice3A_982 = vector.extract_strided_slice %broadcast_in_dim3A_429 {offsets = [0, 2208], sizes = [1, 32], strides = [1, 1]} : vector<1x4096xi32> to vector<1x32xi32>
    %squeeze3A_983 = vector.shape_cast %slice3A_982 : vector<1x32xi32> to vector<32xi32>
    %swap3A_984 = arith.constant 2 : index
    %swap3A_985 = arith.constant 5 : index
    %swap3A_986 = arith.constant 0 : index
    %swap3A_987 = vector.load %arg2[%swap3A_984, %swap3A_985, %swap3A_986] : memref<4x32x32xi32, #tpu.memory_space<vmem>>, vector<1x1x32xi32>
    %swap3A_988 = vector.shape_cast %swap3A_987 : vector<1x1x32xi32> to vector<32xi32>
    %swap3A_989 = vector.shape_cast %squeeze3A_983 : vector<32xi32> to vector<1x1x32xi32>
    tpu.vector_store %arg2[%swap3A_984, %swap3A_985, %swap3A_986], %swap3A_989 {strides = array<i32>} : memref<4x32x32xi32, #tpu.memory_space<vmem>>, vector<1x1x32xi32>,
    %slice3A_990 = vector.extract_strided_slice %broadcast_in_dim3A_429 {offsets = [0, 2240], sizes = [1, 32], strides = [1, 1]} : vector<1x4096xi32> to vector<1x32xi32>
    %squeeze3A_991 = vector.shape_cast %slice3A_990 : vector<1x32xi32> to vector<32xi32>
    %swap3A_992 = arith.constant 2 : index
    %swap3A_993 = arith.constant 6 : index
    %swap3A_994 = arith.constant 0 : index
    %swap3A_995 = vector.load %arg2[%swap3A_992, %swap3A_993, %swap3A_994] : memref<4x32x32xi32, #tpu.memory_space<vmem>>, vector<1x1x32xi32>
    %swap3A_996 = vector.shape_cast %swap3A_995 : vector<1x1x32xi32> to vector<32xi32>
    %swap3A_997 = vector.shape_cast %squeeze3A_991 : vector<32xi32> to vector<1x1x32xi32>
    tpu.vector_store %arg2[%swap3A_992, %swap3A_993, %swap3A_994], %swap3A_997 {strides = array<i32>} : memref<4x32x32xi32, #tpu.memory_space<vmem>>, vector<1x1x32xi32>,
    %slice3A_998 = vector.extract_strided_slice %broadcast_in_dim3A_429 {offsets = [0, 2272], sizes = [1, 32], strides = [1, 1]} : vector<1x4096xi32> to vector<1x32xi32>
    %squeeze3A_999 = vector.shape_cast %slice3A_998 : vector<1x32xi32> to vector<32xi32>
    %swap3A_1000 = arith.constant 2 : index
    %swap3A_1001 = arith.constant 7 : index
    %swap3A_1002 = arith.constant 0 : index
    %swap3A_1003 = vector.load %arg2[%swap3A_1000, %swap3A_1001, %swap3A_1002] : memref<4x32x32xi32, #tpu.memory_space<vmem>>, vector<1x1x32xi32>
    %swap3A_1004 = vector.shape_cast %swap3A_1003 : vector<1x1x32xi32> to vector<32xi32>
    %swap3A_1005 = vector.shape_cast %squeeze3A_999 : vector<32xi32> to vector<1x1x32xi32>
    tpu.vector_store %arg2[%swap3A_1000, %swap3A_1001, %swap3A_1002], %swap3A_1005 {strides = array<i32>} : memref<4x32x32xi32, #tpu.memory_space<vmem>>, vector<1x1x32xi32>,
    %slice3A_1006 = vector.extract_strided_slice %broadcast_in_dim3A_429 {offsets = [0, 2304], sizes = [1, 32], strides = [1, 1]} : vector<1x4096xi32> to vector<1x32xi32>
    %squeeze3A_1007 = vector.shape_cast %slice3A_1006 : vector<1x32xi32> to vector<32xi32>
    %swap3A_1008 = arith.constant 2 : index
    %swap3A_1009 = arith.constant 8 : index
    %swap3A_1010 = arith.constant 0 : index
    %swap3A_1011 = vector.load %arg2[%swap3A_1008, %swap3A_1009, %swap3A_1010] : memref<4x32x32xi32, #tpu.memory_space<vmem>>, vector<1x1x32xi32>
    %swap3A_1012 = vector.shape_cast %swap3A_1011 : vector<1x1x32xi32> to vector<32xi32>
    %swap3A_1013 = vector.shape_cast %squeeze3A_1007 : vector<32xi32> to vector<1x1x32xi32>
    tpu.vector_store %arg2[%swap3A_1008, %swap3A_1009, %swap3A_1010], %swap3A_1013 {strides = array<i32>} : memref<4x32x32xi32, #tpu.memory_space<vmem>>, vector<1x1x32xi32>,
    %slice3A_1014 = vector.extract_strided_slice %broadcast_in_dim3A_429 {offsets = [0, 2336], sizes = [1, 32], strides = [1, 1]} : vector<1x4096xi32> to vector<1x32xi32>
    %squeeze3A_1015 = vector.shape_cast %slice3A_1014 : vector<1x32xi32> to vector<32xi32>
    %swap3A_1016 = arith.constant 2 : index
    %swap3A_1017 = arith.constant 9 : index
    %swap3A_1018 = arith.constant 0 : index
    %swap3A_1019 = vector.load %arg2[%swap3A_1016, %swap3A_1017, %swap3A_1018] : memref<4x32x32xi32, #tpu.memory_space<vmem>>, vector<1x1x32xi32>
    %swap3A_1020 = vector.shape_cast %swap3A_1019 : vector<1x1x32xi32> to vector<32xi32>
    %swap3A_1021 = vector.shape_cast %squeeze3A_1015 : vector<32xi32> to vector<1x1x32xi32>
    tpu.vector_store %arg2[%swap3A_1016, %swap3A_1017, %swap3A_1018], %swap3A_1021 {strides = array<i32>} : memref<4x32x32xi32, #tpu.memory_space<vmem>>, vector<1x1x32xi32>,
    %slice3A_1022 = vector.extract_strided_slice %broadcast_in_dim3A_429 {offsets = [0, 2368], sizes = [1, 32], strides = [1, 1]} : vector<1x4096xi32> to vector<1x32xi32>
    %squeeze3A_1023 = vector.shape_cast %slice3A_1022 : vector<1x32xi32> to vector<32xi32>
    %swap3A_1024 = arith.constant 2 : index
    %swap3A_1025 = arith.constant 10 : index
    %swap3A_1026 = arith.constant 0 : index
    %swap3A_1027 = vector.load %arg2[%swap3A_1024, %swap3A_1025, %swap3A_1026] : memref<4x32x32xi32, #tpu.memory_space<vmem>>, vector<1x1x32xi32>
    %swap3A_1028 = vector.shape_cast %swap3A_1027 : vector<1x1x32xi32> to vector<32xi32>
    %swap3A_1029 = vector.shape_cast %squeeze3A_1023 : vector<32xi32> to vector<1x1x32xi32>
    tpu.vector_store %arg2[%swap3A_1024, %swap3A_1025, %swap3A_1026], %swap3A_1029 {strides = array<i32>} : memref<4x32x32xi32, #tpu.memory_space<vmem>>, vector<1x1x32xi32>,
    %slice3A_1030 = vector.extract_strided_slice %broadcast_in_dim3A_429 {offsets = [0, 2400], sizes = [1, 32], strides = [1, 1]} : vector<1x4096xi32> to vector<1x32xi32>
    %squeeze3A_1031 = vector.shape_cast %slice3A_1030 : vector<1x32xi32> to vector<32xi32>
    %swap3A_1032 = arith.constant 2 : index
    %swap3A_1033 = arith.constant 11 : index
    %swap3A_1034 = arith.constant 0 : index
    %swap3A_1035 = vector.load %arg2[%swap3A_1032, %swap3A_1033, %swap3A_1034] : memref<4x32x32xi32, #tpu.memory_space<vmem>>, vector<1x1x32xi32>
    %swap3A_1036 = vector.shape_cast %swap3A_1035 : vector<1x1x32xi32> to vector<32xi32>
    %swap3A_1037 = vector.shape_cast %squeeze3A_1031 : vector<32xi32> to vector<1x1x32xi32>
    tpu.vector_store %arg2[%swap3A_1032, %swap3A_1033, %swap3A_1034], %swap3A_1037 {strides = array<i32>} : memref<4x32x32xi32, #tpu.memory_space<vmem>>, vector<1x1x32xi32>,
    %slice3A_1038 = vector.extract_strided_slice %broadcast_in_dim3A_429 {offsets = [0, 2432], sizes = [1, 32], strides = [1, 1]} : vector<1x4096xi32> to vector<1x32xi32>
    %squeeze3A_1039 = vector.shape_cast %slice3A_1038 : vector<1x32xi32> to vector<32xi32>
    %swap3A_1040 = arith.constant 2 : index
    %swap3A_1041 = arith.constant 12 : index
    %swap3A_1042 = arith.constant 0 : index
    %swap3A_1043 = vector.load %arg2[%swap3A_1040, %swap3A_1041, %swap3A_1042] : memref<4x32x32xi32, #tpu.memory_space<vmem>>, vector<1x1x32xi32>
    %swap3A_1044 = vector.shape_cast %swap3A_1043 : vector<1x1x32xi32> to vector<32xi32>
    %swap3A_1045 = vector.shape_cast %squeeze3A_1039 : vector<32xi32> to vector<1x1x32xi32>
    tpu.vector_store %arg2[%swap3A_1040, %swap3A_1041, %swap3A_1042], %swap3A_1045 {strides = array<i32>} : memref<4x32x32xi32, #tpu.memory_space<vmem>>, vector<1x1x32xi32>,
    %slice3A_1046 = vector.extract_strided_slice %broadcast_in_dim3A_429 {offsets = [0, 2464], sizes = [1, 32], strides = [1, 1]} : vector<1x4096xi32> to vector<1x32xi32>
    %squeeze3A_1047 = vector.shape_cast %slice3A_1046 : vector<1x32xi32> to vector<32xi32>
    %swap3A_1048 = arith.constant 2 : index
    %swap3A_1049 = arith.constant 13 : index
    %swap3A_1050 = arith.constant 0 : index
    %swap3A_1051 = vector.load %arg2[%swap3A_1048, %swap3A_1049, %swap3A_1050] : memref<4x32x32xi32, #tpu.memory_space<vmem>>, vector<1x1x32xi32>
    %swap3A_1052 = vector.shape_cast %swap3A_1051 : vector<1x1x32xi32> to vector<32xi32>
    %swap3A_1053 = vector.shape_cast %squeeze3A_1047 : vector<32xi32> to vector<1x1x32xi32>
    tpu.vector_store %arg2[%swap3A_1048, %swap3A_1049, %swap3A_1050], %swap3A_1053 {strides = array<i32>} : memref<4x32x32xi32, #tpu.memory_space<vmem>>, vector<1x1x32xi32>,
    %slice3A_1054 = vector.extract_strided_slice %broadcast_in_dim3A_429 {offsets = [0, 2496], sizes = [1, 32], strides = [1, 1]} : vector<1x4096xi32> to vector<1x32xi32>
    %squeeze3A_1055 = vector.shape_cast %slice3A_1054 : vector<1x32xi32> to vector<32xi32>
    %swap3A_1056 = arith.constant 2 : index
    %swap3A_1057 = arith.constant 14 : index
    %swap3A_1058 = arith.constant 0 : index
    %swap3A_1059 = vector.load %arg2[%swap3A_1056, %swap3A_1057, %swap3A_1058] : memref<4x32x32xi32, #tpu.memory_space<vmem>>, vector<1x1x32xi32>
    %swap3A_1060 = vector.shape_cast %swap3A_1059 : vector<1x1x32xi32> to vector<32xi32>
    %swap3A_1061 = vector.shape_cast %squeeze3A_1055 : vector<32xi32> to vector<1x1x32xi32>
    tpu.vector_store %arg2[%swap3A_1056, %swap3A_1057, %swap3A_1058], %swap3A_1061 {strides = array<i32>} : memref<4x32x32xi32, #tpu.memory_space<vmem>>, vector<1x1x32xi32>,
    %slice3A_1062 = vector.extract_strided_slice %broadcast_in_dim3A_429 {offsets = [0, 2528], sizes = [1, 32], strides = [1, 1]} : vector<1x4096xi32> to vector<1x32xi32>
    %squeeze3A_1063 = vector.shape_cast %slice3A_1062 : vector<1x32xi32> to vector<32xi32>
    %swap3A_1064 = arith.constant 2 : index
    %swap3A_1065 = arith.constant 15 : index
    %swap3A_1066 = arith.constant 0 : index
    %swap3A_1067 = vector.load %arg2[%swap3A_1064, %swap3A_1065, %swap3A_1066] : memref<4x32x32xi32, #tpu.memory_space<vmem>>, vector<1x1x32xi32>
    %swap3A_1068 = vector.shape_cast %swap3A_1067 : vector<1x1x32xi32> to vector<32xi32>
    %swap3A_1069 = vector.shape_cast %squeeze3A_1063 : vector<32xi32> to vector<1x1x32xi32>
    tpu.vector_store %arg2[%swap3A_1064, %swap3A_1065, %swap3A_1066], %swap3A_1069 {strides = array<i32>} : memref<4x32x32xi32, #tpu.memory_space<vmem>>, vector<1x1x32xi32>,
    %slice3A_1070 = vector.extract_strided_slice %broadcast_in_dim3A_429 {offsets = [0, 2560], sizes = [1, 32], strides = [1, 1]} : vector<1x4096xi32> to vector<1x32xi32>
    %squeeze3A_1071 = vector.shape_cast %slice3A_1070 : vector<1x32xi32> to vector<32xi32>
    %swap3A_1072 = arith.constant 2 : index
    %swap3A_1073 = arith.constant 16 : index
    %swap3A_1074 = arith.constant 0 : index
    %swap3A_1075 = vector.load %arg2[%swap3A_1072, %swap3A_1073, %swap3A_1074] : memref<4x32x32xi32, #tpu.memory_space<vmem>>, vector<1x1x32xi32>
    %swap3A_1076 = vector.shape_cast %swap3A_1075 : vector<1x1x32xi32> to vector<32xi32>
    %swap3A_1077 = vector.shape_cast %squeeze3A_1071 : vector<32xi32> to vector<1x1x32xi32>
    tpu.vector_store %arg2[%swap3A_1072, %swap3A_1073, %swap3A_1074], %swap3A_1077 {strides = array<i32>} : memref<4x32x32xi32, #tpu.memory_space<vmem>>, vector<1x1x32xi32>,
    %slice3A_1078 = vector.extract_strided_slice %broadcast_in_dim3A_429 {offsets = [0, 2592], sizes = [1, 32], strides = [1, 1]} : vector<1x4096xi32> to vector<1x32xi32>
    %squeeze3A_1079 = vector.shape_cast %slice3A_1078 : vector<1x32xi32> to vector<32xi32>
    %swap3A_1080 = arith.constant 2 : index
    %swap3A_1081 = arith.constant 17 : index
    %swap3A_1082 = arith.constant 0 : index
    %swap3A_1083 = vector.load %arg2[%swap3A_1080, %swap3A_1081, %swap3A_1082] : memref<4x32x32xi32, #tpu.memory_space<vmem>>, vector<1x1x32xi32>
    %swap3A_1084 = vector.shape_cast %swap3A_1083 : vector<1x1x32xi32> to vector<32xi32>
    %swap3A_1085 = vector.shape_cast %squeeze3A_1079 : vector<32xi32> to vector<1x1x32xi32>
    tpu.vector_store %arg2[%swap3A_1080, %swap3A_1081, %swap3A_1082], %swap3A_1085 {strides = array<i32>} : memref<4x32x32xi32, #tpu.memory_space<vmem>>, vector<1x1x32xi32>,
    %slice3A_1086 = vector.extract_strided_slice %broadcast_in_dim3A_429 {offsets = [0, 2624], sizes = [1, 32], strides = [1, 1]} : vector<1x4096xi32> to vector<1x32xi32>
    %squeeze3A_1087 = vector.shape_cast %slice3A_1086 : vector<1x32xi32> to vector<32xi32>
    %swap3A_1088 = arith.constant 2 : index
    %swap3A_1089 = arith.constant 18 : index
    %swap3A_1090 = arith.constant 0 : index
    %swap3A_1091 = vector.load %arg2[%swap3A_1088, %swap3A_1089, %swap3A_1090] : memref<4x32x32xi32, #tpu.memory_space<vmem>>, vector<1x1x32xi32>
    %swap3A_1092 = vector.shape_cast %swap3A_1091 : vector<1x1x32xi32> to vector<32xi32>
    %swap3A_1093 = vector.shape_cast %squeeze3A_1087 : vector<32xi32> to vector<1x1x32xi32>
    tpu.vector_store %arg2[%swap3A_1088, %swap3A_1089, %swap3A_1090], %swap3A_1093 {strides = array<i32>} : memref<4x32x32xi32, #tpu.memory_space<vmem>>, vector<1x1x32xi32>,
    %slice3A_1094 = vector.extract_strided_slice %broadcast_in_dim3A_429 {offsets = [0, 2656], sizes = [1, 32], strides = [1, 1]} : vector<1x4096xi32> to vector<1x32xi32>
    %squeeze3A_1095 = vector.shape_cast %slice3A_1094 : vector<1x32xi32> to vector<32xi32>
    %swap3A_1096 = arith.constant 2 : index
    %swap3A_1097 = arith.constant 19 : index
    %swap3A_1098 = arith.constant 0 : index
    %swap3A_1099 = vector.load %arg2[%swap3A_1096, %swap3A_1097, %swap3A_1098] : memref<4x32x32xi32, #tpu.memory_space<vmem>>, vector<1x1x32xi32>
    %swap3A_1100 = vector.shape_cast %swap3A_1099 : vector<1x1x32xi32> to vector<32xi32>
    %swap3A_1101 = vector.shape_cast %squeeze3A_1095 : vector<32xi32> to vector<1x1x32xi32>
    tpu.vector_store %arg2[%swap3A_1096, %swap3A_1097, %swap3A_1098], %swap3A_1101 {strides = array<i32>} : memref<4x32x32xi32, #tpu.memory_space<vmem>>, vector<1x1x32xi32>,
    %slice3A_1102 = vector.extract_strided_slice %broadcast_in_dim3A_429 {offsets = [0, 2688], sizes = [1, 32], strides = [1, 1]} : vector<1x4096xi32> to vector<1x32xi32>
    %squeeze3A_1103 = vector.shape_cast %slice3A_1102 : vector<1x32xi32> to vector<32xi32>
    %swap3A_1104 = arith.constant 2 : index
    %swap3A_1105 = arith.constant 20 : index
    %swap3A_1106 = arith.constant 0 : index
    %swap3A_1107 = vector.load %arg2[%swap3A_1104, %swap3A_1105, %swap3A_1106] : memref<4x32x32xi32, #tpu.memory_space<vmem>>, vector<1x1x32xi32>
    %swap3A_1108 = vector.shape_cast %swap3A_1107 : vector<1x1x32xi32> to vector<32xi32>
    %swap3A_1109 = vector.shape_cast %squeeze3A_1103 : vector<32xi32> to vector<1x1x32xi32>
    tpu.vector_store %arg2[%swap3A_1104, %swap3A_1105, %swap3A_1106], %swap3A_1109 {strides = array<i32>} : memref<4x32x32xi32, #tpu.memory_space<vmem>>, vector<1x1x32xi32>,
    %slice3A_1110 = vector.extract_strided_slice %broadcast_in_dim3A_429 {offsets = [0, 2720], sizes = [1, 32], strides = [1, 1]} : vector<1x4096xi32> to vector<1x32xi32>
    %squeeze3A_1111 = vector.shape_cast %slice3A_1110 : vector<1x32xi32> to vector<32xi32>
    %swap3A_1112 = arith.constant 2 : index
    %swap3A_1113 = arith.constant 21 : index
    %swap3A_1114 = arith.constant 0 : index
    %swap3A_1115 = vector.load %arg2[%swap3A_1112, %swap3A_1113, %swap3A_1114] : memref<4x32x32xi32, #tpu.memory_space<vmem>>, vector<1x1x32xi32>
    %swap3A_1116 = vector.shape_cast %swap3A_1115 : vector<1x1x32xi32> to vector<32xi32>
    %swap3A_1117 = vector.shape_cast %squeeze3A_1111 : vector<32xi32> to vector<1x1x32xi32>
    tpu.vector_store %arg2[%swap3A_1112, %swap3A_1113, %swap3A_1114], %swap3A_1117 {strides = array<i32>} : memref<4x32x32xi32, #tpu.memory_space<vmem>>, vector<1x1x32xi32>,
    %slice3A_1118 = vector.extract_strided_slice %broadcast_in_dim3A_429 {offsets = [0, 2752], sizes = [1, 32], strides = [1, 1]} : vector<1x4096xi32> to vector<1x32xi32>
    %squeeze3A_1119 = vector.shape_cast %slice3A_1118 : vector<1x32xi32> to vector<32xi32>
    %swap3A_1120 = arith.constant 2 : index
    %swap3A_1121 = arith.constant 22 : index
    %swap3A_1122 = arith.constant 0 : index
    %swap3A_1123 = vector.load %arg2[%swap3A_1120, %swap3A_1121, %swap3A_1122] : memref<4x32x32xi32, #tpu.memory_space<vmem>>, vector<1x1x32xi32>
    %swap3A_1124 = vector.shape_cast %swap3A_1123 : vector<1x1x32xi32> to vector<32xi32>
    %swap3A_1125 = vector.shape_cast %squeeze3A_1119 : vector<32xi32> to vector<1x1x32xi32>
    tpu.vector_store %arg2[%swap3A_1120, %swap3A_1121, %swap3A_1122], %swap3A_1125 {strides = array<i32>} : memref<4x32x32xi32, #tpu.memory_space<vmem>>, vector<1x1x32xi32>,
    %slice3A_1126 = vector.extract_strided_slice %broadcast_in_dim3A_429 {offsets = [0, 2784], sizes = [1, 32], strides = [1, 1]} : vector<1x4096xi32> to vector<1x32xi32>
    %squeeze3A_1127 = vector.shape_cast %slice3A_1126 : vector<1x32xi32> to vector<32xi32>
    %swap3A_1128 = arith.constant 2 : index
    %swap3A_1129 = arith.constant 23 : index
    %swap3A_1130 = arith.constant 0 : index
    %swap3A_1131 = vector.load %arg2[%swap3A_1128, %swap3A_1129, %swap3A_1130] : memref<4x32x32xi32, #tpu.memory_space<vmem>>, vector<1x1x32xi32>
    %swap3A_1132 = vector.shape_cast %swap3A_1131 : vector<1x1x32xi32> to vector<32xi32>
    %swap3A_1133 = vector.shape_cast %squeeze3A_1127 : vector<32xi32> to vector<1x1x32xi32>
    tpu.vector_store %arg2[%swap3A_1128, %swap3A_1129, %swap3A_1130], %swap3A_1133 {strides = array<i32>} : memref<4x32x32xi32, #tpu.memory_space<vmem>>, vector<1x1x32xi32>,
    %slice3A_1134 = vector.extract_strided_slice %broadcast_in_dim3A_429 {offsets = [0, 2816], sizes = [1, 32], strides = [1, 1]} : vector<1x4096xi32> to vector<1x32xi32>
    %squeeze3A_1135 = vector.shape_cast %slice3A_1134 : vector<1x32xi32> to vector<32xi32>
    %swap3A_1136 = arith.constant 2 : index
    %swap3A_1137 = arith.constant 24 : index
    %swap3A_1138 = arith.constant 0 : index
    %swap3A_1139 = vector.load %arg2[%swap3A_1136, %swap3A_1137, %swap3A_1138] : memref<4x32x32xi32, #tpu.memory_space<vmem>>, vector<1x1x32xi32>
    %swap3A_1140 = vector.shape_cast %swap3A_1139 : vector<1x1x32xi32> to vector<32xi32>
    %swap3A_1141 = vector.shape_cast %squeeze3A_1135 : vector<32xi32> to vector<1x1x32xi32>
    tpu.vector_store %arg2[%swap3A_1136, %swap3A_1137, %swap3A_1138], %swap3A_1141 {strides = array<i32>} : memref<4x32x32xi32, #tpu.memory_space<vmem>>, vector<1x1x32xi32>,
    %slice3A_1142 = vector.extract_strided_slice %broadcast_in_dim3A_429 {offsets = [0, 2848], sizes = [1, 32], strides = [1, 1]} : vector<1x4096xi32> to vector<1x32xi32>
    %squeeze3A_1143 = vector.shape_cast %slice3A_1142 : vector<1x32xi32> to vector<32xi32>
    %swap3A_1144 = arith.constant 2 : index
    %swap3A_1145 = arith.constant 25 : index
    %swap3A_1146 = arith.constant 0 : index
    %swap3A_1147 = vector.load %arg2[%swap3A_1144, %swap3A_1145, %swap3A_1146] : memref<4x32x32xi32, #tpu.memory_space<vmem>>, vector<1x1x32xi32>
    %swap3A_1148 = vector.shape_cast %swap3A_1147 : vector<1x1x32xi32> to vector<32xi32>
    %swap3A_1149 = vector.shape_cast %squeeze3A_1143 : vector<32xi32> to vector<1x1x32xi32>
    tpu.vector_store %arg2[%swap3A_1144, %swap3A_1145, %swap3A_1146], %swap3A_1149 {strides = array<i32>} : memref<4x32x32xi32, #tpu.memory_space<vmem>>, vector<1x1x32xi32>,
    %slice3A_1150 = vector.extract_strided_slice %broadcast_in_dim3A_429 {offsets = [0, 2880], sizes = [1, 32], strides = [1, 1]} : vector<1x4096xi32> to vector<1x32xi32>
    %squeeze3A_1151 = vector.shape_cast %slice3A_1150 : vector<1x32xi32> to vector<32xi32>
    %swap3A_1152 = arith.constant 2 : index
    %swap3A_1153 = arith.constant 26 : index
    %swap3A_1154 = arith.constant 0 : index
    %swap3A_1155 = vector.load %arg2[%swap3A_1152, %swap3A_1153, %swap3A_1154] : memref<4x32x32xi32, #tpu.memory_space<vmem>>, vector<1x1x32xi32>
    %swap3A_1156 = vector.shape_cast %swap3A_1155 : vector<1x1x32xi32> to vector<32xi32>
    %swap3A_1157 = vector.shape_cast %squeeze3A_1151 : vector<32xi32> to vector<1x1x32xi32>
    tpu.vector_store %arg2[%swap3A_1152, %swap3A_1153, %swap3A_1154], %swap3A_1157 {strides = array<i32>} : memref<4x32x32xi32, #tpu.memory_space<vmem>>, vector<1x1x32xi32>,
    %slice3A_1158 = vector.extract_strided_slice %broadcast_in_dim3A_429 {offsets = [0, 2912], sizes = [1, 32], strides = [1, 1]} : vector<1x4096xi32> to vector<1x32xi32>
    %squeeze3A_1159 = vector.shape_cast %slice3A_1158 : vector<1x32xi32> to vector<32xi32>
    %swap3A_1160 = arith.constant 2 : index
    %swap3A_1161 = arith.constant 27 : index
    %swap3A_1162 = arith.constant 0 : index
    %swap3A_1163 = vector.load %arg2[%swap3A_1160, %swap3A_1161, %swap3A_1162] : memref<4x32x32xi32, #tpu.memory_space<vmem>>, vector<1x1x32xi32>
    %swap3A_1164 = vector.shape_cast %swap3A_1163 : vector<1x1x32xi32> to vector<32xi32>
    %swap3A_1165 = vector.shape_cast %squeeze3A_1159 : vector<32xi32> to vector<1x1x32xi32>
    tpu.vector_store %arg2[%swap3A_1160, %swap3A_1161, %swap3A_1162], %swap3A_1165 {strides = array<i32>} : memref<4x32x32xi32, #tpu.memory_space<vmem>>, vector<1x1x32xi32>,
    %slice3A_1166 = vector.extract_strided_slice %broadcast_in_dim3A_429 {offsets = [0, 2944], sizes = [1, 32], strides = [1, 1]} : vector<1x4096xi32> to vector<1x32xi32>
    %squeeze3A_1167 = vector.shape_cast %slice3A_1166 : vector<1x32xi32> to vector<32xi32>
    %swap3A_1168 = arith.constant 2 : index
    %swap3A_1169 = arith.constant 28 : index
    %swap3A_1170 = arith.constant 0 : index
    %swap3A_1171 = vector.load %arg2[%swap3A_1168, %swap3A_1169, %swap3A_1170] : memref<4x32x32xi32, #tpu.memory_space<vmem>>, vector<1x1x32xi32>
    %swap3A_1172 = vector.shape_cast %swap3A_1171 : vector<1x1x32xi32> to vector<32xi32>
    %swap3A_1173 = vector.shape_cast %squeeze3A_1167 : vector<32xi32> to vector<1x1x32xi32>
    tpu.vector_store %arg2[%swap3A_1168, %swap3A_1169, %swap3A_1170], %swap3A_1173 {strides = array<i32>} : memref<4x32x32xi32, #tpu.memory_space<vmem>>, vector<1x1x32xi32>,
    %slice3A_1174 = vector.extract_strided_slice %broadcast_in_dim3A_429 {offsets = [0, 2976], sizes = [1, 32], strides = [1, 1]} : vector<1x4096xi32> to vector<1x32xi32>
    %squeeze3A_1175 = vector.shape_cast %slice3A_1174 : vector<1x32xi32> to vector<32xi32>
    %swap3A_1176 = arith.constant 2 : index
    %swap3A_1177 = arith.constant 29 : index
    %swap3A_1178 = arith.constant 0 : index
    %swap3A_1179 = vector.load %arg2[%swap3A_1176, %swap3A_1177, %swap3A_1178] : memref<4x32x32xi32, #tpu.memory_space<vmem>>, vector<1x1x32xi32>
    %swap3A_1180 = vector.shape_cast %swap3A_1179 : vector<1x1x32xi32> to vector<32xi32>
    %swap3A_1181 = vector.shape_cast %squeeze3A_1175 : vector<32xi32> to vector<1x1x32xi32>
    tpu.vector_store %arg2[%swap3A_1176, %swap3A_1177, %swap3A_1178], %swap3A_1181 {strides = array<i32>} : memref<4x32x32xi32, #tpu.memory_space<vmem>>, vector<1x1x32xi32>,
    %slice3A_1182 = vector.extract_strided_slice %broadcast_in_dim3A_429 {offsets = [0, 3008], sizes = [1, 32], strides = [1, 1]} : vector<1x4096xi32> to vector<1x32xi32>
    %squeeze3A_1183 = vector.shape_cast %slice3A_1182 : vector<1x32xi32> to vector<32xi32>
    %swap3A_1184 = arith.constant 2 : index
    %swap3A_1185 = arith.constant 30 : index
    %swap3A_1186 = arith.constant 0 : index
    %swap3A_1187 = vector.load %arg2[%swap3A_1184, %swap3A_1185, %swap3A_1186] : memref<4x32x32xi32, #tpu.memory_space<vmem>>, vector<1x1x32xi32>
    %swap3A_1188 = vector.shape_cast %swap3A_1187 : vector<1x1x32xi32> to vector<32xi32>
    %swap3A_1189 = vector.shape_cast %squeeze3A_1183 : vector<32xi32> to vector<1x1x32xi32>
    tpu.vector_store %arg2[%swap3A_1184, %swap3A_1185, %swap3A_1186], %swap3A_1189 {strides = array<i32>} : memref<4x32x32xi32, #tpu.memory_space<vmem>>, vector<1x1x32xi32>,
    %slice3A_1190 = vector.extract_strided_slice %broadcast_in_dim3A_429 {offsets = [0, 3040], sizes = [1, 32], strides = [1, 1]} : vector<1x4096xi32> to vector<1x32xi32>
    %squeeze3A_1191 = vector.shape_cast %slice3A_1190 : vector<1x32xi32> to vector<32xi32>
    %swap3A_1192 = arith.constant 2 : index
    %swap3A_1193 = arith.constant 31 : index
    %swap3A_1194 = arith.constant 0 : index
    %swap3A_1195 = vector.load %arg2[%swap3A_1192, %swap3A_1193, %swap3A_1194] : memref<4x32x32xi32, #tpu.memory_space<vmem>>, vector<1x1x32xi32>
    %swap3A_1196 = vector.shape_cast %swap3A_1195 : vector<1x1x32xi32> to vector<32xi32>
    %swap3A_1197 = vector.shape_cast %squeeze3A_1191 : vector<32xi32> to vector<1x1x32xi32>
    tpu.vector_store %arg2[%swap3A_1192, %swap3A_1193, %swap3A_1194], %swap3A_1197 {strides = array<i32>} : memref<4x32x32xi32, #tpu.memory_space<vmem>>, vector<1x1x32xi32>,
    %slice3A_1198 = vector.extract_strided_slice %broadcast_in_dim3A_429 {offsets = [0, 3072], sizes = [1, 32], strides = [1, 1]} : vector<1x4096xi32> to vector<1x32xi32>
    %squeeze3A_1199 = vector.shape_cast %slice3A_1198 : vector<1x32xi32> to vector<32xi32>
    %swap3A_1200 = arith.constant 3 : index
    %swap3A_1201 = arith.constant 0 : index
    %swap3A_1202 = arith.constant 0 : index
    %swap3A_1203 = vector.load %arg2[%swap3A_1200, %swap3A_1201, %swap3A_1202] : memref<4x32x32xi32, #tpu.memory_space<vmem>>, vector<1x1x32xi32>
    %swap3A_1204 = vector.shape_cast %swap3A_1203 : vector<1x1x32xi32> to vector<32xi32>
    %swap3A_1205 = vector.shape_cast %squeeze3A_1199 : vector<32xi32> to vector<1x1x32xi32>
    tpu.vector_store %arg2[%swap3A_1200, %swap3A_1201, %swap3A_1202], %swap3A_1205 {strides = array<i32>} : memref<4x32x32xi32, #tpu.memory_space<vmem>>, vector<1x1x32xi32>,
    %slice3A_1206 = vector.extract_strided_slice %broadcast_in_dim3A_429 {offsets = [0, 3104], sizes = [1, 32], strides = [1, 1]} : vector<1x4096xi32> to vector<1x32xi32>
    %squeeze3A_1207 = vector.shape_cast %slice3A_1206 : vector<1x32xi32> to vector<32xi32>
    %swap3A_1208 = arith.constant 3 : index
    %swap3A_1209 = arith.constant 1 : index
    %swap3A_1210 = arith.constant 0 : index
    %swap3A_1211 = vector.load %arg2[%swap3A_1208, %swap3A_1209, %swap3A_1210] : memref<4x32x32xi32, #tpu.memory_space<vmem>>, vector<1x1x32xi32>
    %swap3A_1212 = vector.shape_cast %swap3A_1211 : vector<1x1x32xi32> to vector<32xi32>
    %swap3A_1213 = vector.shape_cast %squeeze3A_1207 : vector<32xi32> to vector<1x1x32xi32>
    tpu.vector_store %arg2[%swap3A_1208, %swap3A_1209, %swap3A_1210], %swap3A_1213 {strides = array<i32>} : memref<4x32x32xi32, #tpu.memory_space<vmem>>, vector<1x1x32xi32>,
    %slice3A_1214 = vector.extract_strided_slice %broadcast_in_dim3A_429 {offsets = [0, 3136], sizes = [1, 32], strides = [1, 1]} : vector<1x4096xi32> to vector<1x32xi32>
    %squeeze3A_1215 = vector.shape_cast %slice3A_1214 : vector<1x32xi32> to vector<32xi32>
    %swap3A_1216 = arith.constant 3 : index
    %swap3A_1217 = arith.constant 2 : index
    %swap3A_1218 = arith.constant 0 : index
    %swap3A_1219 = vector.load %arg2[%swap3A_1216, %swap3A_1217, %swap3A_1218] : memref<4x32x32xi32, #tpu.memory_space<vmem>>, vector<1x1x32xi32>
    %swap3A_1220 = vector.shape_cast %swap3A_1219 : vector<1x1x32xi32> to vector<32xi32>
    %swap3A_1221 = vector.shape_cast %squeeze3A_1215 : vector<32xi32> to vector<1x1x32xi32>
    tpu.vector_store %arg2[%swap3A_1216, %swap3A_1217, %swap3A_1218], %swap3A_1221 {strides = array<i32>} : memref<4x32x32xi32, #tpu.memory_space<vmem>>, vector<1x1x32xi32>,
    %slice3A_1222 = vector.extract_strided_slice %broadcast_in_dim3A_429 {offsets = [0, 3168], sizes = [1, 32], strides = [1, 1]} : vector<1x4096xi32> to vector<1x32xi32>
    %squeeze3A_1223 = vector.shape_cast %slice3A_1222 : vector<1x32xi32> to vector<32xi32>
    %swap3A_1224 = arith.constant 3 : index
    %swap3A_1225 = arith.constant 3 : index
    %swap3A_1226 = arith.constant 0 : index
    %swap3A_1227 = vector.load %arg2[%swap3A_1224, %swap3A_1225, %swap3A_1226] : memref<4x32x32xi32, #tpu.memory_space<vmem>>, vector<1x1x32xi32>
    %swap3A_1228 = vector.shape_cast %swap3A_1227 : vector<1x1x32xi32> to vector<32xi32>
    %swap3A_1229 = vector.shape_cast %squeeze3A_1223 : vector<32xi32> to vector<1x1x32xi32>
    tpu.vector_store %arg2[%swap3A_1224, %swap3A_1225, %swap3A_1226], %swap3A_1229 {strides = array<i32>} : memref<4x32x32xi32, #tpu.memory_space<vmem>>, vector<1x1x32xi32>,
    %slice3A_1230 = vector.extract_strided_slice %broadcast_in_dim3A_429 {offsets = [0, 3200], sizes = [1, 32], strides = [1, 1]} : vector<1x4096xi32> to vector<1x32xi32>
    %squeeze3A_1231 = vector.shape_cast %slice3A_1230 : vector<1x32xi32> to vector<32xi32>
    %swap3A_1232 = arith.constant 3 : index
    %swap3A_1233 = arith.constant 4 : index
    %swap3A_1234 = arith.constant 0 : index
    %swap3A_1235 = vector.load %arg2[%swap3A_1232, %swap3A_1233, %swap3A_1234] : memref<4x32x32xi32, #tpu.memory_space<vmem>>, vector<1x1x32xi32>
    %swap3A_1236 = vector.shape_cast %swap3A_1235 : vector<1x1x32xi32> to vector<32xi32>
    %swap3A_1237 = vector.shape_cast %squeeze3A_1231 : vector<32xi32> to vector<1x1x32xi32>
    tpu.vector_store %arg2[%swap3A_1232, %swap3A_1233, %swap3A_1234], %swap3A_1237 {strides = array<i32>} : memref<4x32x32xi32, #tpu.memory_space<vmem>>, vector<1x1x32xi32>,
    %slice3A_1238 = vector.extract_strided_slice %broadcast_in_dim3A_429 {offsets = [0, 3232], sizes = [1, 32], strides = [1, 1]} : vector<1x4096xi32> to vector<1x32xi32>
    %squeeze3A_1239 = vector.shape_cast %slice3A_1238 : vector<1x32xi32> to vector<32xi32>
    %swap3A_1240 = arith.constant 3 : index
    %swap3A_1241 = arith.constant 5 : index
    %swap3A_1242 = arith.constant 0 : index
    %swap3A_1243 = vector.load %arg2[%swap3A_1240, %swap3A_1241, %swap3A_1242] : memref<4x32x32xi32, #tpu.memory_space<vmem>>, vector<1x1x32xi32>
    %swap3A_1244 = vector.shape_cast %swap3A_1243 : vector<1x1x32xi32> to vector<32xi32>
    %swap3A_1245 = vector.shape_cast %squeeze3A_1239 : vector<32xi32> to vector<1x1x32xi32>
    tpu.vector_store %arg2[%swap3A_1240, %swap3A_1241, %swap3A_1242], %swap3A_1245 {strides = array<i32>} : memref<4x32x32xi32, #tpu.memory_space<vmem>>, vector<1x1x32xi32>,
    %slice3A_1246 = vector.extract_strided_slice %broadcast_in_dim3A_429 {offsets = [0, 3264], sizes = [1, 32], strides = [1, 1]} : vector<1x4096xi32> to vector<1x32xi32>
    %squeeze3A_1247 = vector.shape_cast %slice3A_1246 : vector<1x32xi32> to vector<32xi32>
    %swap3A_1248 = arith.constant 3 : index
    %swap3A_1249 = arith.constant 6 : index
    %swap3A_1250 = arith.constant 0 : index
    %swap3A_1251 = vector.load %arg2[%swap3A_1248, %swap3A_1249, %swap3A_1250] : memref<4x32x32xi32, #tpu.memory_space<vmem>>, vector<1x1x32xi32>
    %swap3A_1252 = vector.shape_cast %swap3A_1251 : vector<1x1x32xi32> to vector<32xi32>
    %swap3A_1253 = vector.shape_cast %squeeze3A_1247 : vector<32xi32> to vector<1x1x32xi32>
    tpu.vector_store %arg2[%swap3A_1248, %swap3A_1249, %swap3A_1250], %swap3A_1253 {strides = array<i32>} : memref<4x32x32xi32, #tpu.memory_space<vmem>>, vector<1x1x32xi32>,
    %slice3A_1254 = vector.extract_strided_slice %broadcast_in_dim3A_429 {offsets = [0, 3296], sizes = [1, 32], strides = [1, 1]} : vector<1x4096xi32> to vector<1x32xi32>
    %squeeze3A_1255 = vector.shape_cast %slice3A_1254 : vector<1x32xi32> to vector<32xi32>
    %swap3A_1256 = arith.constant 3 : index
    %swap3A_1257 = arith.constant 7 : index
    %swap3A_1258 = arith.constant 0 : index
    %swap3A_1259 = vector.load %arg2[%swap3A_1256, %swap3A_1257, %swap3A_1258] : memref<4x32x32xi32, #tpu.memory_space<vmem>>, vector<1x1x32xi32>
    %swap3A_1260 = vector.shape_cast %swap3A_1259 : vector<1x1x32xi32> to vector<32xi32>
    %swap3A_1261 = vector.shape_cast %squeeze3A_1255 : vector<32xi32> to vector<1x1x32xi32>
    tpu.vector_store %arg2[%swap3A_1256, %swap3A_1257, %swap3A_1258], %swap3A_1261 {strides = array<i32>} : memref<4x32x32xi32, #tpu.memory_space<vmem>>, vector<1x1x32xi32>,
    %slice3A_1262 = vector.extract_strided_slice %broadcast_in_dim3A_429 {offsets = [0, 3328], sizes = [1, 32], strides = [1, 1]} : vector<1x4096xi32> to vector<1x32xi32>
    %squeeze3A_1263 = vector.shape_cast %slice3A_1262 : vector<1x32xi32> to vector<32xi32>
    %swap3A_1264 = arith.constant 3 : index
    %swap3A_1265 = arith.constant 8 : index
    %swap3A_1266 = arith.constant 0 : index
    %swap3A_1267 = vector.load %arg2[%swap3A_1264, %swap3A_1265, %swap3A_1266] : memref<4x32x32xi32, #tpu.memory_space<vmem>>, vector<1x1x32xi32>
    %swap3A_1268 = vector.shape_cast %swap3A_1267 : vector<1x1x32xi32> to vector<32xi32>
    %swap3A_1269 = vector.shape_cast %squeeze3A_1263 : vector<32xi32> to vector<1x1x32xi32>
    tpu.vector_store %arg2[%swap3A_1264, %swap3A_1265, %swap3A_1266], %swap3A_1269 {strides = array<i32>} : memref<4x32x32xi32, #tpu.memory_space<vmem>>, vector<1x1x32xi32>,
    %slice3A_1270 = vector.extract_strided_slice %broadcast_in_dim3A_429 {offsets = [0, 3360], sizes = [1, 32], strides = [1, 1]} : vector<1x4096xi32> to vector<1x32xi32>
    %squeeze3A_1271 = vector.shape_cast %slice3A_1270 : vector<1x32xi32> to vector<32xi32>
    %swap3A_1272 = arith.constant 3 : index
    %swap3A_1273 = arith.constant 9 : index
    %swap3A_1274 = arith.constant 0 : index
    %swap3A_1275 = vector.load %arg2[%swap3A_1272, %swap3A_1273, %swap3A_1274] : memref<4x32x32xi32, #tpu.memory_space<vmem>>, vector<1x1x32xi32>
    %swap3A_1276 = vector.shape_cast %swap3A_1275 : vector<1x1x32xi32> to vector<32xi32>
    %swap3A_1277 = vector.shape_cast %squeeze3A_1271 : vector<32xi32> to vector<1x1x32xi32>
    tpu.vector_store %arg2[%swap3A_1272, %swap3A_1273, %swap3A_1274], %swap3A_1277 {strides = array<i32>} : memref<4x32x32xi32, #tpu.memory_space<vmem>>, vector<1x1x32xi32>,
    %slice3A_1278 = vector.extract_strided_slice %broadcast_in_dim3A_429 {offsets = [0, 3392], sizes = [1, 32], strides = [1, 1]} : vector<1x4096xi32> to vector<1x32xi32>
    %squeeze3A_1279 = vector.shape_cast %slice3A_1278 : vector<1x32xi32> to vector<32xi32>
    %swap3A_1280 = arith.constant 3 : index
    %swap3A_1281 = arith.constant 10 : index
    %swap3A_1282 = arith.constant 0 : index
    %swap3A_1283 = vector.load %arg2[%swap3A_1280, %swap3A_1281, %swap3A_1282] : memref<4x32x32xi32, #tpu.memory_space<vmem>>, vector<1x1x32xi32>
    %swap3A_1284 = vector.shape_cast %swap3A_1283 : vector<1x1x32xi32> to vector<32xi32>
    %swap3A_1285 = vector.shape_cast %squeeze3A_1279 : vector<32xi32> to vector<1x1x32xi32>
    tpu.vector_store %arg2[%swap3A_1280, %swap3A_1281, %swap3A_1282], %swap3A_1285 {strides = array<i32>} : memref<4x32x32xi32, #tpu.memory_space<vmem>>, vector<1x1x32xi32>,
    %slice3A_1286 = vector.extract_strided_slice %broadcast_in_dim3A_429 {offsets = [0, 3424], sizes = [1, 32], strides = [1, 1]} : vector<1x4096xi32> to vector<1x32xi32>
    %squeeze3A_1287 = vector.shape_cast %slice3A_1286 : vector<1x32xi32> to vector<32xi32>
    %swap3A_1288 = arith.constant 3 : index
    %swap3A_1289 = arith.constant 11 : index
    %swap3A_1290 = arith.constant 0 : index
    %swap3A_1291 = vector.load %arg2[%swap3A_1288, %swap3A_1289, %swap3A_1290] : memref<4x32x32xi32, #tpu.memory_space<vmem>>, vector<1x1x32xi32>
    %swap3A_1292 = vector.shape_cast %swap3A_1291 : vector<1x1x32xi32> to vector<32xi32>
    %swap3A_1293 = vector.shape_cast %squeeze3A_1287 : vector<32xi32> to vector<1x1x32xi32>
    tpu.vector_store %arg2[%swap3A_1288, %swap3A_1289, %swap3A_1290], %swap3A_1293 {strides = array<i32>} : memref<4x32x32xi32, #tpu.memory_space<vmem>>, vector<1x1x32xi32>,
    %slice3A_1294 = vector.extract_strided_slice %broadcast_in_dim3A_429 {offsets = [0, 3456], sizes = [1, 32], strides = [1, 1]} : vector<1x4096xi32> to vector<1x32xi32>
    %squeeze3A_1295 = vector.shape_cast %slice3A_1294 : vector<1x32xi32> to vector<32xi32>
    %swap3A_1296 = arith.constant 3 : index
    %swap3A_1297 = arith.constant 12 : index
    %swap3A_1298 = arith.constant 0 : index
    %swap3A_1299 = vector.load %arg2[%swap3A_1296, %swap3A_1297, %swap3A_1298] : memref<4x32x32xi32, #tpu.memory_space<vmem>>, vector<1x1x32xi32>
    %swap3A_1300 = vector.shape_cast %swap3A_1299 : vector<1x1x32xi32> to vector<32xi32>
    %swap3A_1301 = vector.shape_cast %squeeze3A_1295 : vector<32xi32> to vector<1x1x32xi32>
    tpu.vector_store %arg2[%swap3A_1296, %swap3A_1297, %swap3A_1298], %swap3A_1301 {strides = array<i32>} : memref<4x32x32xi32, #tpu.memory_space<vmem>>, vector<1x1x32xi32>,
    %slice3A_1302 = vector.extract_strided_slice %broadcast_in_dim3A_429 {offsets = [0, 3488], sizes = [1, 32], strides = [1, 1]} : vector<1x4096xi32> to vector<1x32xi32>
    %squeeze3A_1303 = vector.shape_cast %slice3A_1302 : vector<1x32xi32> to vector<32xi32>
    %swap3A_1304 = arith.constant 3 : index
    %swap3A_1305 = arith.constant 13 : index
    %swap3A_1306 = arith.constant 0 : index
    %swap3A_1307 = vector.load %arg2[%swap3A_1304, %swap3A_1305, %swap3A_1306] : memref<4x32x32xi32, #tpu.memory_space<vmem>>, vector<1x1x32xi32>
    %swap3A_1308 = vector.shape_cast %swap3A_1307 : vector<1x1x32xi32> to vector<32xi32>
    %swap3A_1309 = vector.shape_cast %squeeze3A_1303 : vector<32xi32> to vector<1x1x32xi32>
    tpu.vector_store %arg2[%swap3A_1304, %swap3A_1305, %swap3A_1306], %swap3A_1309 {strides = array<i32>} : memref<4x32x32xi32, #tpu.memory_space<vmem>>, vector<1x1x32xi32>,
    %slice3A_1310 = vector.extract_strided_slice %broadcast_in_dim3A_429 {offsets = [0, 3520], sizes = [1, 32], strides = [1, 1]} : vector<1x4096xi32> to vector<1x32xi32>
    %squeeze3A_1311 = vector.shape_cast %slice3A_1310 : vector<1x32xi32> to vector<32xi32>
    %swap3A_1312 = arith.constant 3 : index
    %swap3A_1313 = arith.constant 14 : index
    %swap3A_1314 = arith.constant 0 : index
    %swap3A_1315 = vector.load %arg2[%swap3A_1312, %swap3A_1313, %swap3A_1314] : memref<4x32x32xi32, #tpu.memory_space<vmem>>, vector<1x1x32xi32>
    %swap3A_1316 = vector.shape_cast %swap3A_1315 : vector<1x1x32xi32> to vector<32xi32>
    %swap3A_1317 = vector.shape_cast %squeeze3A_1311 : vector<32xi32> to vector<1x1x32xi32>
    tpu.vector_store %arg2[%swap3A_1312, %swap3A_1313, %swap3A_1314], %swap3A_1317 {strides = array<i32>} : memref<4x32x32xi32, #tpu.memory_space<vmem>>, vector<1x1x32xi32>,
    %slice3A_1318 = vector.extract_strided_slice %broadcast_in_dim3A_429 {offsets = [0, 3552], sizes = [1, 32], strides = [1, 1]} : vector<1x4096xi32> to vector<1x32xi32>
    %squeeze3A_1319 = vector.shape_cast %slice3A_1318 : vector<1x32xi32> to vector<32xi32>
    %swap3A_1320 = arith.constant 3 : index
    %swap3A_1321 = arith.constant 15 : index
    %swap3A_1322 = arith.constant 0 : index
    %swap3A_1323 = vector.load %arg2[%swap3A_1320, %swap3A_1321, %swap3A_1322] : memref<4x32x32xi32, #tpu.memory_space<vmem>>, vector<1x1x32xi32>
    %swap3A_1324 = vector.shape_cast %swap3A_1323 : vector<1x1x32xi32> to vector<32xi32>
    %swap3A_1325 = vector.shape_cast %squeeze3A_1319 : vector<32xi32> to vector<1x1x32xi32>
    tpu.vector_store %arg2[%swap3A_1320, %swap3A_1321, %swap3A_1322], %swap3A_1325 {strides = array<i32>} : memref<4x32x32xi32, #tpu.memory_space<vmem>>, vector<1x1x32xi32>,
    %slice3A_1326 = vector.extract_strided_slice %broadcast_in_dim3A_429 {offsets = [0, 3584], sizes = [1, 32], strides = [1, 1]} : vector<1x4096xi32> to vector<1x32xi32>
    %squeeze3A_1327 = vector.shape_cast %slice3A_1326 : vector<1x32xi32> to vector<32xi32>
    %swap3A_1328 = arith.constant 3 : index
    %swap3A_1329 = arith.constant 16 : index
    %swap3A_1330 = arith.constant 0 : index
    %swap3A_1331 = vector.load %arg2[%swap3A_1328, %swap3A_1329, %swap3A_1330] : memref<4x32x32xi32, #tpu.memory_space<vmem>>, vector<1x1x32xi32>
    %swap3A_1332 = vector.shape_cast %swap3A_1331 : vector<1x1x32xi32> to vector<32xi32>
    %swap3A_1333 = vector.shape_cast %squeeze3A_1327 : vector<32xi32> to vector<1x1x32xi32>
    tpu.vector_store %arg2[%swap3A_1328, %swap3A_1329, %swap3A_1330], %swap3A_1333 {strides = array<i32>} : memref<4x32x32xi32, #tpu.memory_space<vmem>>, vector<1x1x32xi32>,
    %slice3A_1334 = vector.extract_strided_slice %broadcast_in_dim3A_429 {offsets = [0, 3616], sizes = [1, 32], strides = [1, 1]} : vector<1x4096xi32> to vector<1x32xi32>
    %squeeze3A_1335 = vector.shape_cast %slice3A_1334 : vector<1x32xi32> to vector<32xi32>
    %swap3A_1336 = arith.constant 3 : index
    %swap3A_1337 = arith.constant 17 : index
    %swap3A_1338 = arith.constant 0 : index
    %swap3A_1339 = vector.load %arg2[%swap3A_1336, %swap3A_1337, %swap3A_1338] : memref<4x32x32xi32, #tpu.memory_space<vmem>>, vector<1x1x32xi32>
    %swap3A_1340 = vector.shape_cast %swap3A_1339 : vector<1x1x32xi32> to vector<32xi32>
    %swap3A_1341 = vector.shape_cast %squeeze3A_1335 : vector<32xi32> to vector<1x1x32xi32>
    tpu.vector_store %arg2[%swap3A_1336, %swap3A_1337, %swap3A_1338], %swap3A_1341 {strides = array<i32>} : memref<4x32x32xi32, #tpu.memory_space<vmem>>, vector<1x1x32xi32>,
    %slice3A_1342 = vector.extract_strided_slice %broadcast_in_dim3A_429 {offsets = [0, 3648], sizes = [1, 32], strides = [1, 1]} : vector<1x4096xi32> to vector<1x32xi32>
    %squeeze3A_1343 = vector.shape_cast %slice3A_1342 : vector<1x32xi32> to vector<32xi32>
    %swap3A_1344 = arith.constant 3 : index
    %swap3A_1345 = arith.constant 18 : index
    %swap3A_1346 = arith.constant 0 : index
    %swap3A_1347 = vector.load %arg2[%swap3A_1344, %swap3A_1345, %swap3A_1346] : memref<4x32x32xi32, #tpu.memory_space<vmem>>, vector<1x1x32xi32>
    %swap3A_1348 = vector.shape_cast %swap3A_1347 : vector<1x1x32xi32> to vector<32xi32>
    %swap3A_1349 = vector.shape_cast %squeeze3A_1343 : vector<32xi32> to vector<1x1x32xi32>
    tpu.vector_store %arg2[%swap3A_1344, %swap3A_1345, %swap3A_1346], %swap3A_1349 {strides = array<i32>} : memref<4x32x32xi32, #tpu.memory_space<vmem>>, vector<1x1x32xi32>,
    %slice3A_1350 = vector.extract_strided_slice %broadcast_in_dim3A_429 {offsets = [0, 3680], sizes = [1, 32], strides = [1, 1]} : vector<1x4096xi32> to vector<1x32xi32>
    %squeeze3A_1351 = vector.shape_cast %slice3A_1350 : vector<1x32xi32> to vector<32xi32>
    %swap3A_1352 = arith.constant 3 : index
    %swap3A_1353 = arith.constant 19 : index
    %swap3A_1354 = arith.constant 0 : index
    %swap3A_1355 = vector.load %arg2[%swap3A_1352, %swap3A_1353, %swap3A_1354] : memref<4x32x32xi32, #tpu.memory_space<vmem>>, vector<1x1x32xi32>
    %swap3A_1356 = vector.shape_cast %swap3A_1355 : vector<1x1x32xi32> to vector<32xi32>
    %swap3A_1357 = vector.shape_cast %squeeze3A_1351 : vector<32xi32> to vector<1x1x32xi32>
    tpu.vector_store %arg2[%swap3A_1352, %swap3A_1353, %swap3A_1354], %swap3A_1357 {strides = array<i32>} : memref<4x32x32xi32, #tpu.memory_space<vmem>>, vector<1x1x32xi32>,
    %slice3A_1358 = vector.extract_strided_slice %broadcast_in_dim3A_429 {offsets = [0, 3712], sizes = [1, 32], strides = [1, 1]} : vector<1x4096xi32> to vector<1x32xi32>
    %squeeze3A_1359 = vector.shape_cast %slice3A_1358 : vector<1x32xi32> to vector<32xi32>
    %swap3A_1360 = arith.constant 3 : index
    %swap3A_1361 = arith.constant 20 : index
    %swap3A_1362 = arith.constant 0 : index
    %swap3A_1363 = vector.load %arg2[%swap3A_1360, %swap3A_1361, %swap3A_1362] : memref<4x32x32xi32, #tpu.memory_space<vmem>>, vector<1x1x32xi32>
    %swap3A_1364 = vector.shape_cast %swap3A_1363 : vector<1x1x32xi32> to vector<32xi32>
    %swap3A_1365 = vector.shape_cast %squeeze3A_1359 : vector<32xi32> to vector<1x1x32xi32>
    tpu.vector_store %arg2[%swap3A_1360, %swap3A_1361, %swap3A_1362], %swap3A_1365 {strides = array<i32>} : memref<4x32x32xi32, #tpu.memory_space<vmem>>, vector<1x1x32xi32>,
    %slice3A_1366 = vector.extract_strided_slice %broadcast_in_dim3A_429 {offsets = [0, 3744], sizes = [1, 32], strides = [1, 1]} : vector<1x4096xi32> to vector<1x32xi32>
    %squeeze3A_1367 = vector.shape_cast %slice3A_1366 : vector<1x32xi32> to vector<32xi32>
    %swap3A_1368 = arith.constant 3 : index
    %swap3A_1369 = arith.constant 21 : index
    %swap3A_1370 = arith.constant 0 : index
    %swap3A_1371 = vector.load %arg2[%swap3A_1368, %swap3A_1369, %swap3A_1370] : memref<4x32x32xi32, #tpu.memory_space<vmem>>, vector<1x1x32xi32>
    %swap3A_1372 = vector.shape_cast %swap3A_1371 : vector<1x1x32xi32> to vector<32xi32>
    %swap3A_1373 = vector.shape_cast %squeeze3A_1367 : vector<32xi32> to vector<1x1x32xi32>
    tpu.vector_store %arg2[%swap3A_1368, %swap3A_1369, %swap3A_1370], %swap3A_1373 {strides = array<i32>} : memref<4x32x32xi32, #tpu.memory_space<vmem>>, vector<1x1x32xi32>,
    %slice3A_1374 = vector.extract_strided_slice %broadcast_in_dim3A_429 {offsets = [0, 3776], sizes = [1, 32], strides = [1, 1]} : vector<1x4096xi32> to vector<1x32xi32>
    %squeeze3A_1375 = vector.shape_cast %slice3A_1374 : vector<1x32xi32> to vector<32xi32>
    %swap3A_1376 = arith.constant 3 : index
    %swap3A_1377 = arith.constant 22 : index
    %swap3A_1378 = arith.constant 0 : index
    %swap3A_1379 = vector.load %arg2[%swap3A_1376, %swap3A_1377, %swap3A_1378] : memref<4x32x32xi32, #tpu.memory_space<vmem>>, vector<1x1x32xi32>
    %swap3A_1380 = vector.shape_cast %swap3A_1379 : vector<1x1x32xi32> to vector<32xi32>
    %swap3A_1381 = vector.shape_cast %squeeze3A_1375 : vector<32xi32> to vector<1x1x32xi32>
    tpu.vector_store %arg2[%swap3A_1376, %swap3A_1377, %swap3A_1378], %swap3A_1381 {strides = array<i32>} : memref<4x32x32xi32, #tpu.memory_space<vmem>>, vector<1x1x32xi32>,
    %slice3A_1382 = vector.extract_strided_slice %broadcast_in_dim3A_429 {offsets = [0, 3808], sizes = [1, 32], strides = [1, 1]} : vector<1x4096xi32> to vector<1x32xi32>
    %squeeze3A_1383 = vector.shape_cast %slice3A_1382 : vector<1x32xi32> to vector<32xi32>
    %swap3A_1384 = arith.constant 3 : index
    %swap3A_1385 = arith.constant 23 : index
    %swap3A_1386 = arith.constant 0 : index
    %swap3A_1387 = vector.load %arg2[%swap3A_1384, %swap3A_1385, %swap3A_1386] : memref<4x32x32xi32, #tpu.memory_space<vmem>>, vector<1x1x32xi32>
    %swap3A_1388 = vector.shape_cast %swap3A_1387 : vector<1x1x32xi32> to vector<32xi32>
    %swap3A_1389 = vector.shape_cast %squeeze3A_1383 : vector<32xi32> to vector<1x1x32xi32>
    tpu.vector_store %arg2[%swap3A_1384, %swap3A_1385, %swap3A_1386], %swap3A_1389 {strides = array<i32>} : memref<4x32x32xi32, #tpu.memory_space<vmem>>, vector<1x1x32xi32>,
    %slice3A_1390 = vector.extract_strided_slice %broadcast_in_dim3A_429 {offsets = [0, 3840], sizes = [1, 32], strides = [1, 1]} : vector<1x4096xi32> to vector<1x32xi32>
    %squeeze3A_1391 = vector.shape_cast %slice3A_1390 : vector<1x32xi32> to vector<32xi32>
    %swap3A_1392 = arith.constant 3 : index
    %swap3A_1393 = arith.constant 24 : index
    %swap3A_1394 = arith.constant 0 : index
    %swap3A_1395 = vector.load %arg2[%swap3A_1392, %swap3A_1393, %swap3A_1394] : memref<4x32x32xi32, #tpu.memory_space<vmem>>, vector<1x1x32xi32>
    %swap3A_1396 = vector.shape_cast %swap3A_1395 : vector<1x1x32xi32> to vector<32xi32>
    %swap3A_1397 = vector.shape_cast %squeeze3A_1391 : vector<32xi32> to vector<1x1x32xi32>
    tpu.vector_store %arg2[%swap3A_1392, %swap3A_1393, %swap3A_1394], %swap3A_1397 {strides = array<i32>} : memref<4x32x32xi32, #tpu.memory_space<vmem>>, vector<1x1x32xi32>,
    %slice3A_1398 = vector.extract_strided_slice %broadcast_in_dim3A_429 {offsets = [0, 3872], sizes = [1, 32], strides = [1, 1]} : vector<1x4096xi32> to vector<1x32xi32>
    %squeeze3A_1399 = vector.shape_cast %slice3A_1398 : vector<1x32xi32> to vector<32xi32>
    %swap3A_1400 = arith.constant 3 : index
    %swap3A_1401 = arith.constant 25 : index
    %swap3A_1402 = arith.constant 0 : index
    %swap3A_1403 = vector.load %arg2[%swap3A_1400, %swap3A_1401, %swap3A_1402] : memref<4x32x32xi32, #tpu.memory_space<vmem>>, vector<1x1x32xi32>
    %swap3A_1404 = vector.shape_cast %swap3A_1403 : vector<1x1x32xi32> to vector<32xi32>
    %swap3A_1405 = vector.shape_cast %squeeze3A_1399 : vector<32xi32> to vector<1x1x32xi32>
    tpu.vector_store %arg2[%swap3A_1400, %swap3A_1401, %swap3A_1402], %swap3A_1405 {strides = array<i32>} : memref<4x32x32xi32, #tpu.memory_space<vmem>>, vector<1x1x32xi32>,
    %slice3A_1406 = vector.extract_strided_slice %broadcast_in_dim3A_429 {offsets = [0, 3904], sizes = [1, 32], strides = [1, 1]} : vector<1x4096xi32> to vector<1x32xi32>
    %squeeze3A_1407 = vector.shape_cast %slice3A_1406 : vector<1x32xi32> to vector<32xi32>
    %swap3A_1408 = arith.constant 3 : index
    %swap3A_1409 = arith.constant 26 : index
    %swap3A_1410 = arith.constant 0 : index
    %swap3A_1411 = vector.load %arg2[%swap3A_1408, %swap3A_1409, %swap3A_1410] : memref<4x32x32xi32, #tpu.memory_space<vmem>>, vector<1x1x32xi32>
    %swap3A_1412 = vector.shape_cast %swap3A_1411 : vector<1x1x32xi32> to vector<32xi32>
    %swap3A_1413 = vector.shape_cast %squeeze3A_1407 : vector<32xi32> to vector<1x1x32xi32>
    tpu.vector_store %arg2[%swap3A_1408, %swap3A_1409, %swap3A_1410], %swap3A_1413 {strides = array<i32>} : memref<4x32x32xi32, #tpu.memory_space<vmem>>, vector<1x1x32xi32>,
    %slice3A_1414 = vector.extract_strided_slice %broadcast_in_dim3A_429 {offsets = [0, 3936], sizes = [1, 32], strides = [1, 1]} : vector<1x4096xi32> to vector<1x32xi32>
    %squeeze3A_1415 = vector.shape_cast %slice3A_1414 : vector<1x32xi32> to vector<32xi32>
    %swap3A_1416 = arith.constant 3 : index
    %swap3A_1417 = arith.constant 27 : index
    %swap3A_1418 = arith.constant 0 : index
    %swap3A_1419 = vector.load %arg2[%swap3A_1416, %swap3A_1417, %swap3A_1418] : memref<4x32x32xi32, #tpu.memory_space<vmem>>, vector<1x1x32xi32>
    %swap3A_1420 = vector.shape_cast %swap3A_1419 : vector<1x1x32xi32> to vector<32xi32>
    %swap3A_1421 = vector.shape_cast %squeeze3A_1415 : vector<32xi32> to vector<1x1x32xi32>
    tpu.vector_store %arg2[%swap3A_1416, %swap3A_1417, %swap3A_1418], %swap3A_1421 {strides = array<i32>} : memref<4x32x32xi32, #tpu.memory_space<vmem>>, vector<1x1x32xi32>,
    %slice3A_1422 = vector.extract_strided_slice %broadcast_in_dim3A_429 {offsets = [0, 3968], sizes = [1, 32], strides = [1, 1]} : vector<1x4096xi32> to vector<1x32xi32>
    %squeeze3A_1423 = vector.shape_cast %slice3A_1422 : vector<1x32xi32> to vector<32xi32>
    %swap3A_1424 = arith.constant 3 : index
    %swap3A_1425 = arith.constant 28 : index
    %swap3A_1426 = arith.constant 0 : index
    %swap3A_1427 = vector.load %arg2[%swap3A_1424, %swap3A_1425, %swap3A_1426] : memref<4x32x32xi32, #tpu.memory_space<vmem>>, vector<1x1x32xi32>
    %swap3A_1428 = vector.shape_cast %swap3A_1427 : vector<1x1x32xi32> to vector<32xi32>
    %swap3A_1429 = vector.shape_cast %squeeze3A_1423 : vector<32xi32> to vector<1x1x32xi32>
    tpu.vector_store %arg2[%swap3A_1424, %swap3A_1425, %swap3A_1426], %swap3A_1429 {strides = array<i32>} : memref<4x32x32xi32, #tpu.memory_space<vmem>>, vector<1x1x32xi32>,
    %slice3A_1430 = vector.extract_strided_slice %broadcast_in_dim3A_429 {offsets = [0, 4000], sizes = [1, 32], strides = [1, 1]} : vector<1x4096xi32> to vector<1x32xi32>
    %squeeze3A_1431 = vector.shape_cast %slice3A_1430 : vector<1x32xi32> to vector<32xi32>
    %swap3A_1432 = arith.constant 3 : index
    %swap3A_1433 = arith.constant 29 : index
    %swap3A_1434 = arith.constant 0 : index
    %swap3A_1435 = vector.load %arg2[%swap3A_1432, %swap3A_1433, %swap3A_1434] : memref<4x32x32xi32, #tpu.memory_space<vmem>>, vector<1x1x32xi32>
    %swap3A_1436 = vector.shape_cast %swap3A_1435 : vector<1x1x32xi32> to vector<32xi32>
    %swap3A_1437 = vector.shape_cast %squeeze3A_1431 : vector<32xi32> to vector<1x1x32xi32>
    tpu.vector_store %arg2[%swap3A_1432, %swap3A_1433, %swap3A_1434], %swap3A_1437 {strides = array<i32>} : memref<4x32x32xi32, #tpu.memory_space<vmem>>, vector<1x1x32xi32>,
    %slice3A_1438 = vector.extract_strided_slice %broadcast_in_dim3A_429 {offsets = [0, 4032], sizes = [1, 32], strides = [1, 1]} : vector<1x4096xi32> to vector<1x32xi32>
    %squeeze3A_1439 = vector.shape_cast %slice3A_1438 : vector<1x32xi32> to vector<32xi32>
    %swap3A_1440 = arith.constant 3 : index
    %swap3A_1441 = arith.constant 30 : index
    %swap3A_1442 = arith.constant 0 : index
    %swap3A_1443 = vector.load %arg2[%swap3A_1440, %swap3A_1441, %swap3A_1442] : memref<4x32x32xi32, #tpu.memory_space<vmem>>, vector<1x1x32xi32>
    %swap3A_1444 = vector.shape_cast %swap3A_1443 : vector<1x1x32xi32> to vector<32xi32>
    %swap3A_1445 = vector.shape_cast %squeeze3A_1439 : vector<32xi32> to vector<1x1x32xi32>
    tpu.vector_store %arg2[%swap3A_1440, %swap3A_1441, %swap3A_1442], %swap3A_1445 {strides = array<i32>} : memref<4x32x32xi32, #tpu.memory_space<vmem>>, vector<1x1x32xi32>,
    %slice3A_1446 = vector.extract_strided_slice %broadcast_in_dim3A_429 {offsets = [0, 4064], sizes = [1, 32], strides = [1, 1]} : vector<1x4096xi32> to vector<1x32xi32>
    %squeeze3A_1447 = vector.shape_cast %slice3A_1446 : vector<1x32xi32> to vector<32xi32>
    %swap3A_1448 = arith.constant 3 : index
    %swap3A_1449 = arith.constant 31 : index
    %swap3A_1450 = arith.constant 0 : index
    %swap3A_1451 = vector.load %arg2[%swap3A_1448, %swap3A_1449, %swap3A_1450] : memref<4x32x32xi32, #tpu.memory_space<vmem>>, vector<1x1x32xi32>
    %swap3A_1452 = vector.shape_cast %swap3A_1451 : vector<1x1x32xi32> to vector<32xi32>
    %swap3A_1453 = vector.shape_cast %squeeze3A_1447 : vector<32xi32> to vector<1x1x32xi32>
    tpu.vector_store %arg2[%swap3A_1448, %swap3A_1449, %swap3A_1450], %swap3A_1453 {strides = array<i32>} : memref<4x32x32xi32, #tpu.memory_space<vmem>>, vector<1x1x32xi32>,
    return
  }
}

</mosaic_0001>

<sc_bundles>
// kernel: kernel.4.cloned.1.call-start
scs
__scs_entry_jumppad:
0x0: {  	(pc) =	sbr.rel $0x88, $3  }
0x1: {  	(tag) =	ssettag $0x0;
	lr =	simm.s32 $0x1  }
0x2: {  	[smem:$0x3F9F] =	sst lr;
	_ =	strace $0xD0000000  }
0x3: {  	_ = 	snop  }
0x4: {  	_ = 	snop  }
0x5: {  	_ = 	snop  }
0x6: {  	_ = 	snop  }
0x7: {  	_ = 	snop  }
__scs_overlays_trampoline_lowered:
0x8: {  	[smem:$0x3FAE] =	sst s0  }
0x9: {  	[smem:$0x3FAF] =	sst s1  }
0xa: {  	[smem:$0x3FB0] =	sst s2  }
0xb: {  	[smem:$0x3FB1] =	sst s3  }
0xc: {  	[smem:$0x3FB2] =	sst s4  }
0xd: {  	[smem:$0x3FB3] =	sst s5  }
0xe: {  	[smem:$0x3FB4] =	sst s6  }
0xf: {  	[smem:$0x3FB5] =	sst s7  }
0x10: {  	[smem:$0x3FB6] =	sst s8  }
0x11: {  	[smem:$0x3FB7] =	sst s9;
	s0 =	simm.s32 @!p0 $0x0  }
0x12: {  	s1 =	sld [smem:$0x3F9D];
	s0 =	simm.s32 @p0 $0x1  }
0x13: {  	[smem:$0x3FB8] =	sst s0;
	s0 =	simm.s32 @!p1 $0x0  }
0x14: {  	s2 =	sld [smem:$0x3F9C];
	s0 =	simm.s32 @p1 $0x1  }
0x15: {  	[smem:$0x3FB9] =	sst s0;
	s0 =	simm.s32 @!p2 $0x0  }
0x16: {  	s3 =	sld [smem:$0x3FDB];
	s0 =	simm.s32 @p2 $0x1  }
0x17: {  	s4 =	simm.s32 $0x1BF5;
	[smem:$0x3FBB] =	sst s0  }
0x18: {  	s0 =	sld [smem:$0x3F9E];
	_ =	swait.ge [sflag:s4], $0x0  }
0x19: {  	s7 =	sld [smem:$0x3F9F]  }
0x1a: {  	s8 =	sadd.s32 $0xFFFFE003, lr  }
0x1b: {  	s9 =	sadd.s32 $0xFFFFFEF7, lr;
	s5 =	simm.s32 $0xFFFFFFFF;
	p2 =	slt.u32 s8, $0xFFFFF086  }
0x1c: {  	p1 =	slt.u32 s9, $0xF7A;
	s5 =	simm.s32 @!p2 $0x0  }
0x1d: {  	s5 =	simm.s32 @p1 $0x1;
	p0 =	seq.s32 s7, s2  }
0x1e: {  	s7 =	smul.u32 @!p0 $0xF7A, s2;
	p2 =	seq.s32 @!p0 s5, $0x0  }
0x1f: {  	s9 =	smul.u32 $0xF7A, s1;
	s8 =	simm.s32 @!p0 $0x1BF5;
	p2 =	por !p2, p0  }
0x20: {  	[sflag:s8] =	ssyncset.s32 @!p0 $0xFFFFF086;
	s6 =	sadd.s32 @!p0 s3, s7;
	s7 =	simm.s32 @!p0 $0x108  }
0x21: {  	s3 =	sadd.s32 s3, s9;
	s6 =	sadd.s32 @!p0 $0x88, s6;
	s7 =	simm.s32 @p2 $0x1082  }
0x22: {  	[simem:s7], [sflag:s8] =	dma.local @!p0 [hbm:s6], $0xF7A  }
0x23: {  	s9 =	sor.u32 $0xD0000000, s2;
	s6 =	simm.s32 $0x108;
	_ =	swait.ge @!p0 [sflag:s8], $0x0  }
0x24: {  	s3 =	sadd.s32 $0x88, s3;
	s6 =	simm.s32 @!p1 $0x1082;
	[sflag:s4] =	ssyncset.s32 $0xFFFFF086  }
0x25: {  	[simem:s6], [sflag:s4] =	dma.local [hbm:s3], $0xF7A  }
0x26: {  	[smem:$0x3F9F] =	sst s1;
	(tag) =	ssettag s2;
	_ =	strace s9  }
0x27: {  	s1 =	sld [smem:$0x3FAF]  }
0x28: {  	s2 =	sld [smem:$0x3FB0]  }
0x29: {  	s4 =	sld [smem:$0x3FB2]  }
0x2a: {  	p0 =	seq.s32 s5, $0x0;
	s5 =	sld [smem:$0x3FB3]  }
0x2b: {  	s6 =	sld [smem:$0x3FB4]  }
0x2c: {  	s7 =	sld [smem:$0x3FB5]  }
0x2d: {  	s3 =	simm.s32 $0x108;
	s8 =	sld [smem:$0x3FB6]  }
0x2e: {  	s3 =	simm.s32 @!p0 $0x1082;
	s9 =	sld [smem:$0x3FB7]  }
0x2f: {  	lr =	sadd.s32 s0, s3;
	s0 =	sld [smem:$0x3FAE]  }
0x30: {  	s3 =	sld [smem:$0x3FB1]  }
0x31: {  	[smem:$0x3FBA] =	sst s10  }
0x32: {  	s10 =	sld [smem:$0x3FB8];
	_ =	sdelay $0x3  }
0x33: {  	p0 =	seq.s32 s10, $0x1;
	s10 =	sld [smem:$0x3FBA];
	_ =	sdelay $0x3  }
0x34: {  	[smem:$0x3FBA] =	sst s10  }
0x35: {  	s10 =	sld [smem:$0x3FB9];
	_ =	sdelay $0x3  }
0x36: {  	p1 =	seq.s32 s10, $0x1;
	s10 =	sld [smem:$0x3FBA];
	_ =	sdelay $0x3  }
0x37: {  	[smem:$0x3FBA] =	sst s10  }
0x38: {  	s10 =	sld [smem:$0x3FBB]  }
0x39: {  	_ = 	snop;
	(pc) =	sbr.ind lr, $3  }
0x3a: {  	_ = 	snop  }
0x3b: {  	_ = 	snop  }
0x3c: {  	p2 =	seq.s32 s10, $0x1;
	s10 =	sld [smem:$0x3FBA]  }
0x3d: {  	_ =	shalt  }
0x3e: {  	_ =	shalt  }
0x3f: {  	_ =	shalt  }
0x40: {  	_ =	shalt  }
0x41: {  	_ =	shalt  }
0x42: {  	_ =	shalt  }
0x43: {  	_ =	shalt  }
0x44: {  	_ =	shalt  }
0x45: {  	_ =	shalt  }
0x46: {  	_ =	shalt  }
0x47: {  	_ =	shalt  }
0x48: {  	_ =	shalt  }
0x49: {  	_ =	shalt  }
0x4a: {  	_ =	shalt  }
0x4b: {  	_ =	shalt  }
0x4c: {  	_ =	shalt  }
0x4d: {  	_ =	shalt  }
0x4e: {  	_ =	shalt  }
0x4f: {  	_ =	shalt  }
0x50: {  	_ =	shalt  }
0x51: {  	_ =	shalt  }
0x52: {  	_ =	shalt  }
0x53: {  	_ =	shalt  }
0x54: {  	_ =	shalt  }
0x55: {  	_ =	shalt  }
0x56: {  	_ =	shalt  }
0x57: {  	_ =	shalt  }
0x58: {  	_ =	shalt  }
0x59: {  	_ =	shalt  }
0x5a: {  	_ =	shalt  }
0x5b: {  	_ =	shalt  }
0x5c: {  	_ =	shalt  }
0x5d: {  	_ =	shalt  }
0x5e: {  	_ =	shalt  }
0x5f: {  	_ =	shalt  }
0x60: {  	_ =	shalt  }
0x61: {  	_ =	shalt  }
0x62: {  	_ =	shalt  }
0x63: {  	_ =	shalt  }
0x64: {  	_ =	shalt  }
0x65: {  	_ =	shalt  }
0x66: {  	_ =	shalt  }
0x67: {  	_ =	shalt  }
0x68: {  	_ =	shalt  }
0x69: {  	_ =	shalt  }
0x6a: {  	_ =	shalt  }
0x6b: {  	_ =	shalt  }
0x6c: {  	_ =	shalt  }
0x6d: {  	_ =	shalt  }
0x6e: {  	_ =	shalt  }
0x6f: {  	_ =	shalt  }
0x70: {  	_ =	shalt  }
0x71: {  	_ =	shalt  }
0x72: {  	_ =	shalt  }
0x73: {  	_ =	shalt  }
0x74: {  	_ =	shalt  }
0x75: {  	_ =	shalt  }
0x76: {  	_ =	shalt  }
0x77: {  	_ =	shalt  }
0x78: {  	_ =	shalt  }
0x79: {  	_ =	shalt  }
0x7a: {  	_ =	shalt  }
0x7b: {  	_ =	shalt  }
0x7c: {  	_ =	shalt  }
0x7d: {  	_ =	shalt  }
0x7e: {  	_ =	shalt  }
0x7f: {  	_ =	shalt  }
0x80: {  	_ =	shalt  }
0x81: {  	_ =	shalt  }
0x82: {  	_ =	shalt  }
0x83: {  	_ =	shalt  }
0x84: {  	_ =	shalt  }
0x85: {  	_ =	shalt  }
0x86: {  	_ =	shalt  }
0x87: {  	_ =	shalt  }
.Lfunc_end0:
.L_simem_size_0:
called_computation_lowered:
.L_overlay_start_0:
0x88: {  	s2 =	sld [smem:$0x3FD9]  }
0x89: {  	s3 =	sld [smem:$0x3FFE];
	_ =	sdelay $0x1  }
0x8a: {  	s1 =	srdreg.scid  }
0x8b: {  	s0 =	sand.u32 $0x1, s1  }
0x8c: {  	s14 =	sshll.u32 s0, $0xA;
	s2 =	sadd.s32 s3, s2  }
0x8d: {  	s2 =	sadd.s32 s2, s14  }
0x8e: {  	[smem:$0x3FC6] =	sst s2  }
0x8f: {  	_ = 	snop  }
0x90: {  	s2 =	sld [smem:$0x3FD0];
	_ =	sdelay $0x2  }
0x91: {  	s15 =	simm.s32 $0xA;
	s4 =	simm.s32 $0x10  }
0x92: {  	[smem:s4], [sflag:s15] =	dma.local [hbm:s2], $0x1  }
0x93: {  	_ =	swait.eq [sflag:s15], $0x1  }
0x94: {  	[sflag:s15] =	ssyncset.done $0x0  }
0x95: {  	[sflag:s15] =	ssyncadd.s32 $0xFFFFFFFF  }
0x96: {  	s16 =	sld [smem:$0x10];
	(tm) =	ssettm $0x1  }
0x97: {  	s17 =	sld [smem:$0x3FFB];
	_ =	sdelay $0x3  }
0x98: {  	_ =	strace s17  }
0x99: {  	s3 =	sld [smem:$0x3FFC];
	_ =	sdelay $0x3  }
0x9a: {  	_ =	strace s3  }
0x9b: {  	s3 =	sld [smem:$0x3FFD];
	_ =	sdelay $0x3  }
0x9c: {  	_ =	strace s3  }
0x9d: {  	_ =	strace $0x8FFFFFFF  }
0x9e: {  	s18 =	sld [smem:$0x3FDB];
	_ =	sdelay $0x1  }
0x9f: {  	s19 =	simm.s32 $_scs_section_size  }
0xa0: {  	s5 =	simm.s32 $_size__tile_overlayer_lowered;
	s6 =	simm.s32 $_tile_overlayer_lowered  }
0xa1: {  	s22 =	simm.s32 $0x1BFF;
	s21 =	sshll.u32 s6, $0x1;
	s3 =	sadd.s32 s19, s18  }
0xa2: {  	s7 =	simm.s32 $0x0;
	s20 =	sshll.u32 s5, $0x1;
	s5 =	sadd.s32 s21, s3  }
0xa3: {  	[timem:s7], [sflag:s22] =	dma.local [hbm:s5], s20  }
0xa4: {  	_ =	swait.ge [sflag:s22], s20  }
0xa5: {  	s4 =	ssub.s32 $0x0, s20;
	[sflag:s22] =	ssyncset.done $0x0  }
0xa6: {  	[sflag:s22] =	ssyncadd.s32 s4;
	_ =	sdelay $0x1  }
0xa7: {  	s23 =	simm.s32 $0x1B8B  }
0xa8: {  	_ =	swait.ge [sflag:s23], $0x1  }
0xa9: {  	[sflag:s23] =	ssyncset.done $0x0  }
0xaa: {  	s25 =	simm.s32 $0x1B8E;
	s24 =	sld [smem:$0x3FFE];
	[sflag:s23] =	ssyncadd.s32 $0xFFFFFFFF  }
0xab: {  	s26 =	simm.s32 $execute0_lowered;
	[smem:$0x3FD2] =	sst s25  }
0xac: {  	s5 =	sshll.u32 s26, $0x1;
	_ =	strace $0x80000046;
	[dreg:$0x1] =	wrdreg $0xFFFFFFFF  }
0xad: {  	s28 =	simm.s32 $_size_execute0_lowered;
	s3 =	sadd.s32 s3, s5;
	[dreg:$0x0] =	wrdreg $0x0  }
0xae: {  	s5 =	sshll.u32 s28, $0x1;
	[dreg:$0x2] =	wrdreg s3  }
0xaf: {  	[dreg:$0x3] =	wrdreg s5  }
0xb0: {  	[dreg:$0x4] =	wrdreg $0xC0  }
0xb1: {  	_ =	task [dreg:s7], $0x5FFFF  }
0xb2: {  	[dreg:$0x1] =	wrdreg $0xFFFFFFFF  }
0xb3: {  	[dreg:$0x0] =	wrdreg $0x60  }
0xb4: {  	[dreg:$0x2] =	wrdreg s16  }
0xb5: {  	[dreg:$0x3] =	wrdreg s24  }
0xb6: {  	[dreg:$0x4] =	wrdreg $0x9  }
0xb7: {  	_ =	task.clear_ibuf [dreg:s7], $0x5FFFF;
	_ =	strace $0x90000046  }
0xb8: {  	s29 =	simm.s32 $0x9;
	_ =	strace $0x80000048  }
0xb9: {  	_ =	swait.ge [sflag:s29], $0x1  }
0xba: {  	[sflag:s29] =	ssyncadd.s32 $0xFFFFFFFF  }
0xbb: {  	_ =	strace $0x90000048  }
0xbc: {  	_ =	sfence  }
0xbd: {  	s30 =	sld [smem:$0x0];
	_ =	sdelay $0x2  }
0xbe: {  	s31 =	sshll.u32 s1, $0xD;
	s1 =	sshrl.u32 s1, $0x2  }
0xbf: {  	s3 =	sand.u32 $0x4000, s31;
	s1 =	sadd.s32 s1, s30  }
0xc0: {  	s0 =	sor.u32 s3, s0;
	s1 =	sshll.u32 s1, $0x11  }
0xc1: {  	s0 =	sor.u32 s1, s0  }
0xc2: {  	s0 =	sadd.s32 $0x8F2B, s0  }
0xc3: {  	[sflag:s0] =	ssyncadd.remote.s32 $0x1  }
0xc4: {  	_ =	sfence.sel $0xFFFF  }
0xc5: {  	[dreg:$0x0] =	wrdreg $0xFFFFFFFF;
	(pc) =	sbr.abs _section_cstart, $3  }
0xc6: {  	[dreg:$0x1] =	wrdreg $0xFFFFFFFF  }
0xc7: {  	_ =	task.clear_ibuf [dreg:s7], $0x2FFFF;
	_ =	strace $0x9FFFFFFF  }
0xc8: {  	(tm) =	ssettm $0x7FFFFFFF  }
0xc9: {  	_ =	shalt  }
tec
execute0_lowered:
.L_overlay_start_1:
0x0: {  	(tag) =	ssettag $0x1  }
0x1: {  	s1 =	srdreg.scid  }
0x2: {  	s0 =	stileid.u32;
	s6 =	sand.u32 $0x1, s1  }
0x3: {  	s2 =	rddreg [dreg:$0x0];
	s30 =	sshll.u32 s0, $0x8;
	s3 =	sshll.u32 s6, $0x7  }
0x4: {  	s8 =	rddreg [dreg:$0x1];
	s7 =	simm.s32 $0x1;
	s9 =	sor.u32 s3, s30  }
0x5: {  	s1 =	rddreg [dreg:$0x2];
	s3 =	simm.s32 $0x0;
	s4 =	sshrl.u32 s9, $0x3  }
0x6: {  	s10 =	ssub.s32 $0x2, s6;
	[smem:$0x7FF] =	sst s3;
	s4 =	sadd.s32 s4, s8  }
0x7: {  	_ =	strace $0x80000047;
	s5 =	sadd.s32 $0xE00, s4;
	s4 =	simm.s32 $0x2  }
0x8: {  	[tilespmem:s3], [sflag:$0x2] =	stream.linear.gather [hbm4b:s5+s3], $0x80, $0x38;
	[tilespmem:$0x4080] =	vst v63  }
0x9: {  	s6 =	simm.s32 $0x80;
	s11 =	sshrl.u32 s10, $0x1;
	_ =	swait.ge [sflag:s4], $0x80  }
0xa: {  	s9 =	sshll.u32 s9, $0x4;
	s31 =	ssub.s32 s10, s11;
	[sflag:s4] =	ssyncset.done $0x0  }
0xb: {  	s8 =	sadd.s32 s9, s8;
	s9 =	smax.u32 s31, $0x1;
	[sflag:s4] =	ssyncadd.s32 $0xFFFFFF80  }
0xc: {  	[tilespmem:s6], [sflag:$0x1] =	stream.indirect.gather [hbm4b:s2+s6], $0x80, s3, s6, $0xb8;
	[tilespmem:$0x4080] =	vst v63  }
0xd: {  	p0 =	sne.s32 s9, $0x1;
	_ =	swait.ge [sflag:s7], $0x4000  }
.Ltmp0:
0xe: {  	[sflag:s7] =	ssyncset.done $0x0;
	(pc) =	sbr.rel @!p0 .LBB2_2-.Ltmp0, $4  }
0xf: {  	s8 =	sadd.s32 $0x1000, s8;
	[sflag:s7] =	ssyncadd.s32 $0xFFFFC000  }
0x10: {  	[hbm4b:s8+s3] =	stream.linear.scatter [tilespmem:s6], [sflag:$0x2], $0x4000, $0x38;
	[tilespmem:$0x4080] =	vst v63  }
0x11: {  	_ =	swait.ge [sflag:s4], $0x4000  }
0x12: {  	s9 =	sadd.s32 $0xFFFFFFFF, s9;
	[sflag:s4] =	ssyncset.done $0x0  }
.LBB2_1:
0x13: {  	p0 =	sne.s32 s9, $0x1;
	s9 =	sadd.s32 $0xFFFFFFFF, s9;
	[sflag:s4] =	ssyncadd.s32 $0xFFFFC000  }
0x14: {  	[tilespmem:s3], [sflag:$0x2] =	stream.linear.gather [hbm4b:s5+s3], $0x80, $0x38;
	[tilespmem:$0x4080] =	vst v63  }
0x15: {  	_ =	swait.ge [sflag:s4], $0x80  }
0x16: {  	[sflag:s4] =	ssyncset.done $0x0  }
0x17: {  	[sflag:s4] =	ssyncadd.s32 $0xFFFFFF80  }
0x18: {  	[tilespmem:s6], [sflag:$0x1] =	stream.indirect.gather [hbm4b:s2+s6], $0x80, s3, s6, $0xb8;
	[tilespmem:$0x4080] =	vst v63  }
0x19: {  	_ =	swait.ge [sflag:s7], $0x4000  }
.Ltmp1:
0x1a: {  	[sflag:s7] =	ssyncset.done $0x0;
	(pc) =	sbr.rel @p0 .LBB2_1-.Ltmp1, $4  }
0x1b: {  	[sflag:s7] =	ssyncadd.s32 $0xFFFFC000  }
0x1c: {  	[hbm4b:s8+s3] =	stream.linear.scatter [tilespmem:s6], [sflag:$0x2], $0x4000, $0x38;
	[tilespmem:$0x4080] =	vst v63  }
0x1d: {  	_ =	swait.ge [sflag:s4], $0x4000  }
0x1e: {  	[sflag:s4] =	ssyncset.done $0x0  }
.LBB2_2:
0x1f: {  	[sflag:s4] =	ssyncadd.s32 $0xFFFFC000  }
0x20: {  	_ =	sfence.sel $0x180000  }
0x21: {  	[bflag:$0x0] =	sbarrier.arrive $0xFFFF  }
0x22: {  	p0 =	sne.s32 s0, $0x0;
	_ =	strace $0x90000047  }
0x23: {  	s0 =	sadd.s32 @!p0 $0x100000, s1;
	[bflag:$0x2] =	sbarrier.arrive $0xFFFF  }
0x24: {  	[sflag:s0] =	ssyncadd.tile.s32 @!p0 $0x1;
	_ =	shalt  }
.Lfunc_end2:
_tile_overlayer_lowered:
.L_overlay_start_2:
0x25: {  	(tag) =	ssettag $0x2  }
0x26: {  	s0 =	rddreg [dreg:$0x0];
	s2 =	stileid.u32  }
0x27: {  	s1 =	rddreg [dreg:$0x1];
	p0 =	sne.s32 s2, $0x0  }
0x28: {  	s3 =	rddreg [dreg:$0x2];
	[bflag:$0x3] =	sbarrier.arrive $0xFFFF;
	s2 =	simm.s32 @!p0 $0x1C02  }
0x29: {  	[timem:s3], [sflag:s2] =	dma.local @!p0 [hbm:s0], s1  }
0x2a: {  	s0 =	simm.s32 @!p0 $0x2  }
0x2b: {  	_ =	swait.ge @!p0 [sflag:s0], s1  }
0x2c: {  	s1 =	ssub.s32 @!p0 $0x0, s1;
	[sflag:s0] =	ssyncset.done @!p0 $0x0  }
0x2d: {  	[sflag:s0] =	ssyncadd.s32 @!p0 s1  }
0x2e: {  	[bflag:$0x3] =	sbarrier.arrive $0xFFFF  }
0x2f: {  	_ =	shalt  }

</sc_bundles>
